<compile_context>
chip_gen: v7x
topology: tpu7x:2x2x1
jax: 0.10.2.dev20260603
libtpu: 0.0.44.dev20260713+nightly
codegen_flags: <defaults>
</compile_context>

<pallas_src>
import numpy as np
import jax
import jax.numpy as jnp
from jax import lax
from jax.experimental import pallas as pl
from jax.experimental.pallas import tpu as pltpu
from jax.experimental.pallas import tpu_sc as plsc

SEQ = 200
BATCH = 4096
EMBED = 64
NC = 2
NS = 16
NW = NC * NS
BPW = BATCH // NW
G = 4
NITER = SEQ // (2 * G)
LANES = 16
CH = EMBED // LANES

_PERM = np.concatenate([
    np.arange(0, 32, 2), np.arange(1, 32, 2),
    np.arange(32, 64, 2), np.arange(33, 64, 2)])


def _body(idx_hbm, table_hbm, fcw_hbm, fcb_hbm, out_hbm,
          idx_v, acc_v,
          a0, a1, a2, a3, b0, b1, b2, b3,
          out_v, fcw_v, fcb_v, sem_a, sem_b):
    wid = lax.axis_index("s") * NC + lax.axis_index("c")
    bufs_a = (a0, a1, a2, a3)
    bufs_b = (b0, b1, b2, b3)

    pltpu.sync_copy(fcw_hbm, fcw_v)
    pltpu.sync_copy(fcb_hbm, fcb_v)
    pltpu.sync_copy(idx_hbm.at[:, pl.ds(wid * BPW, BPW)], idx_v)

    def fire(bufs, sem, base):
        for k in range(G):
            pltpu.async_copy(table_hbm.at[idx_v.at[base + k]], bufs[k], sem)

    def drain(bufs, sem, base):
        for k in range(G):
            pltpu.make_async_copy(
                table_hbm.at[idx_v.at[base + k]], bufs[k], sem).wait()

    zeros = jnp.zeros((LANES,), jnp.float32)

    @pl.loop(0, BPW)
    def _(i):
        for c in range(CH):
            acc_v[pl.ds(i * EMBED + c * LANES, LANES)] = zeros

    def accumulate(bufs):
        @pl.loop(0, BPW)
        def _(i):
            for h in range(2):
                sl = pl.ds(h * 2 * LANES, 2 * LANES)
                lo = zeros
                hi = zeros
                for k in range(G):
                    a, b = plsc.unpack(
                        bufs[k][i, sl], format=plsc.PackFormat.INTERLEAVED)
                    lo = lo + a
                    hi = hi + b
                asl0 = pl.ds(i * EMBED + h * 2 * LANES, LANES)
                asl1 = pl.ds(i * EMBED + h * 2 * LANES + LANES, LANES)
                acc_v[asl0] = acc_v[asl0] + lo
                acc_v[asl1] = acc_v[asl1] + hi

    fire(bufs_a, sem_a, 0)
    fire(bufs_b, sem_b, G)

    @pl.loop(0, NITER - 1)
    def _(it):
        base = it * (2 * G)
        drain(bufs_a, sem_a, base)
        accumulate(bufs_a)
        fire(bufs_a, sem_a, base + 2 * G)
        drain(bufs_b, sem_b, base + G)
        accumulate(bufs_b)
        fire(bufs_b, sem_b, base + 3 * G)

    last = (NITER - 1) * (2 * G)
    drain(bufs_a, sem_a, last)
    accumulate(bufs_a)
    drain(bufs_b, sem_b, last + G)
    accumulate(bufs_b)

    bias0 = fcb_v[0, :]
    bias1 = fcb_v[1, :]

    @pl.loop(0, BPW // LANES)
    def _(g):
        rows = g * LANES + lax.iota(jnp.int32, LANES)

        def dot_step(d, carry):
            o0, o1 = carry
            col = plsc.load_gather(acc_v, [rows * EMBED + d])
            return (o0 + col * fcw_v[0, d, :], o1 + col * fcw_v[1, d, :])

        o0, o1 = lax.fori_loop(0, EMBED, dot_step, (zeros, zeros))
        o0 = o0 + bias0
        o1 = o1 + bias1
        m = jnp.maximum(o0, o1)
        e0 = jnp.exp(o0 - m)
        e1 = jnp.exp(o1 - m)
        tot = e0 + e1
        pos = (g * LANES + lax.iota(jnp.int32, LANES)) * 2
        plsc.store_scatter(out_v, [pos], e0 / tot)
        plsc.store_scatter(out_v, [pos + 1], e1 / tot)

    pltpu.sync_copy(out_v, out_hbm.at[pl.ds(wid * 2 * BPW, 2 * BPW)])


_sc_call = pl.kernel(
    _body,
    out_type=jax.ShapeDtypeStruct((2 * BATCH,), jnp.float32),
    mesh=plsc.VectorSubcoreMesh(core_axis_name="c", subcore_axis_name="s"),
    scratch_types=[
        pltpu.VMEM((SEQ, BPW), jnp.int32),
        pltpu.VMEM((BPW * EMBED,), jnp.float32),
    ] + [pltpu.VMEM((BPW, EMBED), jnp.bfloat16) for _ in range(2 * G)]
    + [
        pltpu.VMEM((2 * BPW,), jnp.float32),
        pltpu.VMEM((2, EMBED, LANES), jnp.float32),
        pltpu.VMEM((2, LANES), jnp.float32),
        pltpu.SemaphoreType.DMA,
        pltpu.SemaphoreType.DMA,
    ],
    compiler_params=pltpu.CompilerParams(
        needs_layout_passes=False, use_tc_tiling_on_sc=False),
)


@jax.jit
def kernel(input, embeddings, fc_w, fc_b):
    table16 = embeddings.astype(jnp.bfloat16)
    fcw_p = (fc_w.T * (1.0 / SEQ))[:, _PERM]
    fcw_t = jnp.broadcast_to(fcw_p[:, :, None], (2, EMBED, LANES))
    fcb_p = jnp.broadcast_to(fc_b[:, None], (2, LANES))
    out_flat = _sc_call(input, table16, fcw_t, fcb_p)
    return out_flat.reshape(BATCH, 2)

# --- scband reference (transcript-rebuilt; emitter-appended) ---
"""Pipeline reference for scband-sent-regressor-77257871720663 (READ-ONLY COPY).

The authoritative reference and input builder live on the scoring server;
editing this copy changes nothing except your own understanding.
"""

import jax, jax.numpy as jnp
import numpy as np

VOCAB = 1000000
EMBED_DIM = 64
SEQ = 200
BATCH = 4096


def setup_inputs(seed: int = 0) -> dict:
    key = jax.random.key(seed)
    k1, k2, k3, k4 = jax.random.split(key, 4)
    inp = jax.random.randint(k1, (SEQ, BATCH), 0, VOCAB, dtype=jnp.int32)
    embeddings = jax.random.normal(k2, (VOCAB, EMBED_DIM), dtype=jnp.float32)
    fc_w = jax.random.normal(k3, (EMBED_DIM, 2), dtype=jnp.float32) * (1.0 / np.sqrt(EMBED_DIM))
    fc_b = jax.random.normal(k4, (2,), dtype=jnp.float32) * 0.01
    return {"input": inp, "embeddings": embeddings, "fc_w": fc_w, "fc_b": fc_b}


def reference(input, embeddings, fc_w, fc_b):
    # embeds = mean over sequence dim (dim=0) of embedding lookups -> [BATCH, EMBED_DIM]
    embeds = jnp.take(embeddings, input, axis=0)  # [SEQ, BATCH, EMBED_DIM]
    embeds = jnp.mean(embeds, axis=0)             # [BATCH, EMBED_DIM]
    out = embeds @ fc_w + fc_b                    # [BATCH, 2]
    out = jax.nn.softmax(out, axis=-1)
    # torch .squeeze(1) is a no-op here since dim 1 has size 2
    return out

if __name__ == "__main__":
    import jax
    _d = setup_inputs()
    print(jax.jit(kernel)(*tuple(_d.values())))

</pallas_src>

<mosaic_0001>
#map = affine_map<(d0, d1) -> (0, 0)>
#map1 = affine_map<(d0, d1) -> (0, 0, 0)>
#map2 = affine_map<(d0, d1) -> (0)>
module attributes {stable_mosaic.version = 14 : i64} {
  func.func @_body(%arg0: i32, %arg1: i32, %arg2: memref<200x4096xi32, #tpu.memory_space<hbm>>, %arg3: memref<1000000x64xbf16, #tpu.memory_space<hbm>>, %arg4: memref<2x64x16xf32, #tpu.memory_space<hbm>>, %arg5: memref<2x16xf32, #tpu.memory_space<hbm>>, %arg6: memref<8192xf32, #tpu.memory_space<hbm>>, %arg7: memref<200x128xi32, #tpu.memory_space<vmem>>, %arg8: memref<8192xf32, #tpu.memory_space<vmem>>, %arg9: memref<128x64xbf16, #tpu.memory_space<vmem>>, %arg10: memref<128x64xbf16, #tpu.memory_space<vmem>>, %arg11: memref<128x64xbf16, #tpu.memory_space<vmem>>, %arg12: memref<128x64xbf16, #tpu.memory_space<vmem>>, %arg13: memref<128x64xbf16, #tpu.memory_space<vmem>>, %arg14: memref<128x64xbf16, #tpu.memory_space<vmem>>, %arg15: memref<128x64xbf16, #tpu.memory_space<vmem>>, %arg16: memref<128x64xbf16, #tpu.memory_space<vmem>>, %arg17: memref<256xf32, #tpu.memory_space<vmem>>, %arg18: memref<2x64x16xf32, #tpu.memory_space<vmem>>, %arg19: memref<2x16xf32, #tpu.memory_space<vmem>>, %arg20: memref<!tpu.dma_semaphore, #tpu.memory_space<semaphore_mem>>, %arg21: memref<!tpu.dma_semaphore, #tpu.memory_space<semaphore_mem>>) attributes {dimension_semantics = [#tpu.dimension_semantics<core_parallel>, #tpu.dimension_semantics<subcore_parallel>], iteration_bounds = array<i64: 2, 16>, scalar_prefetch = 0 : i64, scratch_operands = 15 : i64, tpu.core_type = #tpu.core_type<sc_vector_subcore>, window_params = [{transform_indices = #map}, {transform_indices = #map}, {transform_indices = #map1}, {transform_indices = #map}, {transform_indices = #map2}]} {
    %mul3A = arith.constant 2 : i32
    %mul3A_0 = arith.muli %arg1, %mul3A : i32
    %add3A = arith.addi %mul3A_0, %arg0 : i32
    "tpu.region"() ({
      %run_scoped3A = tpu.sem_alloc : memref<!tpu.dma_semaphore, #tpu.memory_space<semaphore_mem>>
      tpu.enqueue_dma source(%arg4 : memref<2x64x16xf32, #tpu.memory_space<hbm>>) target(%arg18 : memref<2x64x16xf32, #tpu.memory_space<vmem>>) target_semaphore(%run_scoped3A : memref<!tpu.dma_semaphore, #tpu.memory_space<semaphore_mem>>)
      tpu.wait_dma2 semaphore(%run_scoped3A : memref<!tpu.dma_semaphore, #tpu.memory_space<semaphore_mem>>) src(%arg4 : memref<2x64x16xf32, #tpu.memory_space<hbm>>) dst(%arg18 : memref<2x64x16xf32, #tpu.memory_space<vmem>>)
      tpu.yield
    }) : () -> ()
    "tpu.region"() ({
      %run_scoped3A = tpu.sem_alloc : memref<!tpu.dma_semaphore, #tpu.memory_space<semaphore_mem>>
      tpu.enqueue_dma source(%arg5 : memref<2x16xf32, #tpu.memory_space<hbm>>) target(%arg19 : memref<2x16xf32, #tpu.memory_space<vmem>>) target_semaphore(%run_scoped3A : memref<!tpu.dma_semaphore, #tpu.memory_space<semaphore_mem>>)
      tpu.wait_dma2 semaphore(%run_scoped3A : memref<!tpu.dma_semaphore, #tpu.memory_space<semaphore_mem>>) src(%arg5 : memref<2x16xf32, #tpu.memory_space<hbm>>) dst(%arg19 : memref<2x16xf32, #tpu.memory_space<vmem>>)
      tpu.yield
    }) : () -> ()
    %mul3A_1 = arith.constant 128 : i32
    %mul3A_2 = arith.muli %add3A, %mul3A_1 : i32
    "tpu.region"() ({
      %run_scoped3A = tpu.sem_alloc : memref<!tpu.dma_semaphore, #tpu.memory_space<semaphore_mem>>
      %dma_start3A_149 = arith.constant 0 : i32
      %dma_start3A_150 = tpu.memref_slice %arg2[%dma_start3A_149, %mul3A_2] : memref<200x4096xi32, #tpu.memory_space<hbm>> -> memref<200x128xi32, #tpu.memory_space<hbm>>
      %dma_start3A_151 = arith.constant 0 : i32
      %dma_start3A_152 = tpu.memref_slice %arg2[%dma_start3A_151, %mul3A_2] : memref<200x4096xi32, #tpu.memory_space<hbm>> -> memref<200x128xi32, #tpu.memory_space<hbm>>
      tpu.enqueue_dma source(%dma_start3A_152 : memref<200x128xi32, #tpu.memory_space<hbm>>) target(%arg7 : memref<200x128xi32, #tpu.memory_space<vmem>>) target_semaphore(%run_scoped3A : memref<!tpu.dma_semaphore, #tpu.memory_space<semaphore_mem>>)
      %dma_wait3A_153 = arith.constant 0 : i32
      %dma_wait3A_154 = tpu.memref_slice %arg2[%dma_wait3A_153, %mul3A_2] : memref<200x4096xi32, #tpu.memory_space<hbm>> -> memref<200x128xi32, #tpu.memory_space<hbm>>
      %dma_wait3A_155 = arith.constant 0 : i32
      %dma_wait3A_156 = tpu.memref_slice %arg2[%dma_wait3A_155, %mul3A_2] : memref<200x4096xi32, #tpu.memory_space<hbm>> -> memref<200x128xi32, #tpu.memory_space<hbm>>
      tpu.wait_dma2 semaphore(%run_scoped3A : memref<!tpu.dma_semaphore, #tpu.memory_space<semaphore_mem>>) src(%dma_wait3A_156 : memref<200x128xi32, #tpu.memory_space<hbm>>) dst(%arg7 : memref<200x128xi32, #tpu.memory_space<vmem>>)
      tpu.yield
    }) : () -> ()
    %broadcast_in_dim3A = arith.constant 0.000000e+00 : f32
    %broadcast_in_dim3A_3 = vector.broadcast %broadcast_in_dim3A : f32 to vector<16xf32>
    %scan3A = arith.constant 0 : i32
    %scan3A_4 = arith.constant 128 : i32
    %scan3A_5 = arith.addi %scan3A, %scan3A_4 : i32
    %scan3A_6 = arith.constant 1 : i32
    scf.for %scan3A_149 = %scan3A to %scan3A_5 step %scan3A_6  : i32 {
      %mul3A_150 = arith.constant 1 : i32
      %mul3A_151 = arith.muli %scan3A_149, %mul3A_150 : i32
      %add3A_152 = arith.constant 0 : i32
      %add3A_153 = arith.addi %add3A_152, %mul3A_151 : i32
      %mul3A_154 = arith.constant 64 : i32
      %mul3A_155 = arith.muli %add3A_153, %mul3A_154 : i32
      %add3A_156 = arith.constant 0 : i32
      %add3A_157 = arith.addi %mul3A_155, %add3A_156 : i32
      %swap3A = arith.index_cast %add3A_157 : i32 to index
      %swap3A_158 = tpu.vector_load %arg8[%swap3A] {strides = array<i32>} : memref<8192xf32, #tpu.memory_space<vmem>>, vector<16xf32>,
      tpu.vector_store %arg8[%swap3A], %broadcast_in_dim3A_3 {strides = array<i32>} : memref<8192xf32, #tpu.memory_space<vmem>>, vector<16xf32>,
      %mul3A_159 = arith.constant 64 : i32
      %mul3A_160 = arith.muli %add3A_153, %mul3A_159 : i32
      %add3A_161 = arith.constant 16 : i32
      %add3A_162 = arith.addi %mul3A_160, %add3A_161 : i32
      %swap3A_163 = arith.index_cast %add3A_162 : i32 to index
      %swap3A_164 = tpu.vector_load %arg8[%swap3A_163] {strides = array<i32>} : memref<8192xf32, #tpu.memory_space<vmem>>, vector<16xf32>,
      tpu.vector_store %arg8[%swap3A_163], %broadcast_in_dim3A_3 {strides = array<i32>} : memref<8192xf32, #tpu.memory_space<vmem>>, vector<16xf32>,
      %mul3A_165 = arith.constant 64 : i32
      %mul3A_166 = arith.muli %add3A_153, %mul3A_165 : i32
      %add3A_167 = arith.constant 32 : i32
      %add3A_168 = arith.addi %mul3A_166, %add3A_167 : i32
      %swap3A_169 = arith.index_cast %add3A_168 : i32 to index
      %swap3A_170 = tpu.vector_load %arg8[%swap3A_169] {strides = array<i32>} : memref<8192xf32, #tpu.memory_space<vmem>>, vector<16xf32>,
      tpu.vector_store %arg8[%swap3A_169], %broadcast_in_dim3A_3 {strides = array<i32>} : memref<8192xf32, #tpu.memory_space<vmem>>, vector<16xf32>,
      %mul3A_171 = arith.constant 64 : i32
      %mul3A_172 = arith.muli %add3A_153, %mul3A_171 : i32
      %add3A_173 = arith.constant 48 : i32
      %add3A_174 = arith.addi %mul3A_172, %add3A_173 : i32
      %swap3A_175 = arith.index_cast %add3A_174 : i32 to index
      %swap3A_176 = tpu.vector_load %arg8[%swap3A_175] {strides = array<i32>} : memref<8192xf32, #tpu.memory_space<vmem>>, vector<16xf32>,
      tpu.vector_store %arg8[%swap3A_175], %broadcast_in_dim3A_3 {strides = array<i32>} : memref<8192xf32, #tpu.memory_space<vmem>>, vector<16xf32>,
    }
    %scan3A_7 = arith.constant 128 : i32
    %dma_start3A = arith.constant 0 : i32
    %dma_start3A_8 = arith.constant 0 : i32
    %dma_start3A_9 = tpu.memref_slice %arg7[%dma_start3A, %dma_start3A_8] : memref<200x128xi32, #tpu.memory_space<vmem>> -> memref<1x128xi32, #tpu.memory_space<vmem>>
    %dma_start3A_10 = tpu.memref_squeeze %dma_start3A_9 : memref<1x128xi32, #tpu.memory_space<vmem>> -> memref<128xi32, #tpu.memory_space<vmem>>
    %dma_start3A_11 = arith.constant 0 : i32
    %dma_start3A_12 = arith.constant 0 : i32
    %dma_start3A_13 = tpu.memref_slice %arg3[%dma_start3A_11, %dma_start3A_12] : memref<1000000x64xbf16, #tpu.memory_space<hbm>> -> memref<1000000x64xbf16, #tpu.memory_space<hbm>>
    tpu.enqueue_indirect_dma source(%dma_start3A_13 : memref<1000000x64xbf16, #tpu.memory_space<hbm>>) target(%arg9 : memref<128x64xbf16, #tpu.memory_space<vmem>>) offsets(%dma_start3A_10 : memref<128xi32, #tpu.memory_space<vmem>>) semaphore(%arg20 : memref<!tpu.dma_semaphore, #tpu.memory_space<semaphore_mem>>)
    %dma_start3A_14 = arith.constant 1 : i32
    %dma_start3A_15 = arith.constant 0 : i32
    %dma_start3A_16 = tpu.memref_slice %arg7[%dma_start3A_14, %dma_start3A_15] : memref<200x128xi32, #tpu.memory_space<vmem>> -> memref<1x128xi32, #tpu.memory_space<vmem>>
    %dma_start3A_17 = tpu.memref_squeeze %dma_start3A_16 : memref<1x128xi32, #tpu.memory_space<vmem>> -> memref<128xi32, #tpu.memory_space<vmem>>
    %dma_start3A_18 = arith.constant 0 : i32
    %dma_start3A_19 = arith.constant 0 : i32
    %dma_start3A_20 = tpu.memref_slice %arg3[%dma_start3A_18, %dma_start3A_19] : memref<1000000x64xbf16, #tpu.memory_space<hbm>> -> memref<1000000x64xbf16, #tpu.memory_space<hbm>>
    tpu.enqueue_indirect_dma source(%dma_start3A_20 : memref<1000000x64xbf16, #tpu.memory_space<hbm>>) target(%arg10 : memref<128x64xbf16, #tpu.memory_space<vmem>>) offsets(%dma_start3A_17 : memref<128xi32, #tpu.memory_space<vmem>>) semaphore(%arg20 : memref<!tpu.dma_semaphore, #tpu.memory_space<semaphore_mem>>)
    %dma_start3A_21 = arith.constant 2 : i32
    %dma_start3A_22 = arith.constant 0 : i32
    %dma_start3A_23 = tpu.memref_slice %arg7[%dma_start3A_21, %dma_start3A_22] : memref<200x128xi32, #tpu.memory_space<vmem>> -> memref<1x128xi32, #tpu.memory_space<vmem>>
    %dma_start3A_24 = tpu.memref_squeeze %dma_start3A_23 : memref<1x128xi32, #tpu.memory_space<vmem>> -> memref<128xi32, #tpu.memory_space<vmem>>
    %dma_start3A_25 = arith.constant 0 : i32
    %dma_start3A_26 = arith.constant 0 : i32
    %dma_start3A_27 = tpu.memref_slice %arg3[%dma_start3A_25, %dma_start3A_26] : memref<1000000x64xbf16, #tpu.memory_space<hbm>> -> memref<1000000x64xbf16, #tpu.memory_space<hbm>>
    tpu.enqueue_indirect_dma source(%dma_start3A_27 : memref<1000000x64xbf16, #tpu.memory_space<hbm>>) target(%arg11 : memref<128x64xbf16, #tpu.memory_space<vmem>>) offsets(%dma_start3A_24 : memref<128xi32, #tpu.memory_space<vmem>>) semaphore(%arg20 : memref<!tpu.dma_semaphore, #tpu.memory_space<semaphore_mem>>)
    %dma_start3A_28 = arith.constant 3 : i32
    %dma_start3A_29 = arith.constant 0 : i32
    %dma_start3A_30 = tpu.memref_slice %arg7[%dma_start3A_28, %dma_start3A_29] : memref<200x128xi32, #tpu.memory_space<vmem>> -> memref<1x128xi32, #tpu.memory_space<vmem>>
    %dma_start3A_31 = tpu.memref_squeeze %dma_start3A_30 : memref<1x128xi32, #tpu.memory_space<vmem>> -> memref<128xi32, #tpu.memory_space<vmem>>
    %dma_start3A_32 = arith.constant 0 : i32
    %dma_start3A_33 = arith.constant 0 : i32
    %dma_start3A_34 = tpu.memref_slice %arg3[%dma_start3A_32, %dma_start3A_33] : memref<1000000x64xbf16, #tpu.memory_space<hbm>> -> memref<1000000x64xbf16, #tpu.memory_space<hbm>>
    tpu.enqueue_indirect_dma source(%dma_start3A_34 : memref<1000000x64xbf16, #tpu.memory_space<hbm>>) target(%arg12 : memref<128x64xbf16, #tpu.memory_space<vmem>>) offsets(%dma_start3A_31 : memref<128xi32, #tpu.memory_space<vmem>>) semaphore(%arg20 : memref<!tpu.dma_semaphore, #tpu.memory_space<semaphore_mem>>)
    %dma_start3A_35 = arith.constant 4 : i32
    %dma_start3A_36 = arith.constant 0 : i32
    %dma_start3A_37 = tpu.memref_slice %arg7[%dma_start3A_35, %dma_start3A_36] : memref<200x128xi32, #tpu.memory_space<vmem>> -> memref<1x128xi32, #tpu.memory_space<vmem>>
    %dma_start3A_38 = tpu.memref_squeeze %dma_start3A_37 : memref<1x128xi32, #tpu.memory_space<vmem>> -> memref<128xi32, #tpu.memory_space<vmem>>
    %dma_start3A_39 = arith.constant 0 : i32
    %dma_start3A_40 = arith.constant 0 : i32
    %dma_start3A_41 = tpu.memref_slice %arg3[%dma_start3A_39, %dma_start3A_40] : memref<1000000x64xbf16, #tpu.memory_space<hbm>> -> memref<1000000x64xbf16, #tpu.memory_space<hbm>>
    tpu.enqueue_indirect_dma source(%dma_start3A_41 : memref<1000000x64xbf16, #tpu.memory_space<hbm>>) target(%arg13 : memref<128x64xbf16, #tpu.memory_space<vmem>>) offsets(%dma_start3A_38 : memref<128xi32, #tpu.memory_space<vmem>>) semaphore(%arg21 : memref<!tpu.dma_semaphore, #tpu.memory_space<semaphore_mem>>)
    %dma_start3A_42 = arith.constant 5 : i32
    %dma_start3A_43 = arith.constant 0 : i32
    %dma_start3A_44 = tpu.memref_slice %arg7[%dma_start3A_42, %dma_start3A_43] : memref<200x128xi32, #tpu.memory_space<vmem>> -> memref<1x128xi32, #tpu.memory_space<vmem>>
    %dma_start3A_45 = tpu.memref_squeeze %dma_start3A_44 : memref<1x128xi32, #tpu.memory_space<vmem>> -> memref<128xi32, #tpu.memory_space<vmem>>
    %dma_start3A_46 = arith.constant 0 : i32
    %dma_start3A_47 = arith.constant 0 : i32
    %dma_start3A_48 = tpu.memref_slice %arg3[%dma_start3A_46, %dma_start3A_47] : memref<1000000x64xbf16, #tpu.memory_space<hbm>> -> memref<1000000x64xbf16, #tpu.memory_space<hbm>>
    tpu.enqueue_indirect_dma source(%dma_start3A_48 : memref<1000000x64xbf16, #tpu.memory_space<hbm>>) target(%arg14 : memref<128x64xbf16, #tpu.memory_space<vmem>>) offsets(%dma_start3A_45 : memref<128xi32, #tpu.memory_space<vmem>>) semaphore(%arg21 : memref<!tpu.dma_semaphore, #tpu.memory_space<semaphore_mem>>)
    %dma_start3A_49 = arith.constant 6 : i32
    %dma_start3A_50 = arith.constant 0 : i32
    %dma_start3A_51 = tpu.memref_slice %arg7[%dma_start3A_49, %dma_start3A_50] : memref<200x128xi32, #tpu.memory_space<vmem>> -> memref<1x128xi32, #tpu.memory_space<vmem>>
    %dma_start3A_52 = tpu.memref_squeeze %dma_start3A_51 : memref<1x128xi32, #tpu.memory_space<vmem>> -> memref<128xi32, #tpu.memory_space<vmem>>
    %dma_start3A_53 = arith.constant 0 : i32
    %dma_start3A_54 = arith.constant 0 : i32
    %dma_start3A_55 = tpu.memref_slice %arg3[%dma_start3A_53, %dma_start3A_54] : memref<1000000x64xbf16, #tpu.memory_space<hbm>> -> memref<1000000x64xbf16, #tpu.memory_space<hbm>>
    tpu.enqueue_indirect_dma source(%dma_start3A_55 : memref<1000000x64xbf16, #tpu.memory_space<hbm>>) target(%arg15 : memref<128x64xbf16, #tpu.memory_space<vmem>>) offsets(%dma_start3A_52 : memref<128xi32, #tpu.memory_space<vmem>>) semaphore(%arg21 : memref<!tpu.dma_semaphore, #tpu.memory_space<semaphore_mem>>)
    %dma_start3A_56 = arith.constant 7 : i32
    %dma_start3A_57 = arith.constant 0 : i32
    %dma_start3A_58 = tpu.memref_slice %arg7[%dma_start3A_56, %dma_start3A_57] : memref<200x128xi32, #tpu.memory_space<vmem>> -> memref<1x128xi32, #tpu.memory_space<vmem>>
    %dma_start3A_59 = tpu.memref_squeeze %dma_start3A_58 : memref<1x128xi32, #tpu.memory_space<vmem>> -> memref<128xi32, #tpu.memory_space<vmem>>
    %dma_start3A_60 = arith.constant 0 : i32
    %dma_start3A_61 = arith.constant 0 : i32
    %dma_start3A_62 = tpu.memref_slice %arg3[%dma_start3A_60, %dma_start3A_61] : memref<1000000x64xbf16, #tpu.memory_space<hbm>> -> memref<1000000x64xbf16, #tpu.memory_space<hbm>>
    tpu.enqueue_indirect_dma source(%dma_start3A_62 : memref<1000000x64xbf16, #tpu.memory_space<hbm>>) target(%arg16 : memref<128x64xbf16, #tpu.memory_space<vmem>>) offsets(%dma_start3A_59 : memref<128xi32, #tpu.memory_space<vmem>>) semaphore(%arg21 : memref<!tpu.dma_semaphore, #tpu.memory_space<semaphore_mem>>)
    %scan3A_63 = arith.constant 0 : i32
    %scan3A_64 = arith.constant 24 : i32
    %scan3A_65 = arith.addi %scan3A_63, %scan3A_64 : i32
    %scan3A_66 = arith.constant 1 : i32
    scf.for %scan3A_149 = %scan3A_63 to %scan3A_65 step %scan3A_66  : i32 {
      %mul3A_150 = arith.constant 1 : i32
      %mul3A_151 = arith.muli %scan3A_149, %mul3A_150 : i32
      %add3A_152 = arith.constant 0 : i32
      %add3A_153 = arith.addi %add3A_152, %mul3A_151 : i32
      %mul3A_154 = arith.constant 8 : i32
      %mul3A_155 = arith.muli %add3A_153, %mul3A_154 : i32
      %add3A_156 = arith.constant 0 : i32
      %add3A_157 = arith.addi %mul3A_155, %add3A_156 : i32
      %dma_wait3A_158 = arith.constant 0 : i32
      %dma_wait3A_159 = tpu.memref_slice %arg7[%add3A_157, %dma_wait3A_158] : memref<200x128xi32, #tpu.memory_space<vmem>> -> memref<1x128xi32, #tpu.memory_space<vmem>>
      %dma_wait3A_160 = tpu.memref_squeeze %dma_wait3A_159 : memref<1x128xi32, #tpu.memory_space<vmem>> -> memref<128xi32, #tpu.memory_space<vmem>>
      %dma_wait3A_161 = arith.constant 0 : i32
      %dma_wait3A_162 = arith.constant 0 : i32
      %dma_wait3A_163 = tpu.memref_slice %arg3[%dma_wait3A_161, %dma_wait3A_162] : memref<1000000x64xbf16, #tpu.memory_space<hbm>> -> memref<1000000x64xbf16, #tpu.memory_space<hbm>>
      tpu.wait_indirect_dma semaphore(%arg20 : memref<!tpu.dma_semaphore, #tpu.memory_space<semaphore_mem>>) src(%dma_wait3A_163 : memref<1000000x64xbf16, #tpu.memory_space<hbm>>) dst(%arg9 : memref<128x64xbf16, #tpu.memory_space<vmem>>)
      %add3A_164 = arith.constant 1 : i32
      %add3A_165 = arith.addi %mul3A_155, %add3A_164 : i32
      %dma_wait3A_166 = arith.constant 0 : i32
      %dma_wait3A_167 = tpu.memref_slice %arg7[%add3A_165, %dma_wait3A_166] : memref<200x128xi32, #tpu.memory_space<vmem>> -> memref<1x128xi32, #tpu.memory_space<vmem>>
      %dma_wait3A_168 = tpu.memref_squeeze %dma_wait3A_167 : memref<1x128xi32, #tpu.memory_space<vmem>> -> memref<128xi32, #tpu.memory_space<vmem>>
      %dma_wait3A_169 = arith.constant 0 : i32
      %dma_wait3A_170 = arith.constant 0 : i32
      %dma_wait3A_171 = tpu.memref_slice %arg3[%dma_wait3A_169, %dma_wait3A_170] : memref<1000000x64xbf16, #tpu.memory_space<hbm>> -> memref<1000000x64xbf16, #tpu.memory_space<hbm>>
      tpu.wait_indirect_dma semaphore(%arg20 : memref<!tpu.dma_semaphore, #tpu.memory_space<semaphore_mem>>) src(%dma_wait3A_171 : memref<1000000x64xbf16, #tpu.memory_space<hbm>>) dst(%arg10 : memref<128x64xbf16, #tpu.memory_space<vmem>>)
      %add3A_172 = arith.constant 2 : i32
      %add3A_173 = arith.addi %mul3A_155, %add3A_172 : i32
      %dma_wait3A_174 = arith.constant 0 : i32
      %dma_wait3A_175 = tpu.memref_slice %arg7[%add3A_173, %dma_wait3A_174] : memref<200x128xi32, #tpu.memory_space<vmem>> -> memref<1x128xi32, #tpu.memory_space<vmem>>
      %dma_wait3A_176 = tpu.memref_squeeze %dma_wait3A_175 : memref<1x128xi32, #tpu.memory_space<vmem>> -> memref<128xi32, #tpu.memory_space<vmem>>
      %dma_wait3A_177 = arith.constant 0 : i32
      %dma_wait3A_178 = arith.constant 0 : i32
      %dma_wait3A_179 = tpu.memref_slice %arg3[%dma_wait3A_177, %dma_wait3A_178] : memref<1000000x64xbf16, #tpu.memory_space<hbm>> -> memref<1000000x64xbf16, #tpu.memory_space<hbm>>
      tpu.wait_indirect_dma semaphore(%arg20 : memref<!tpu.dma_semaphore, #tpu.memory_space<semaphore_mem>>) src(%dma_wait3A_179 : memref<1000000x64xbf16, #tpu.memory_space<hbm>>) dst(%arg11 : memref<128x64xbf16, #tpu.memory_space<vmem>>)
      %add3A_180 = arith.constant 3 : i32
      %add3A_181 = arith.addi %mul3A_155, %add3A_180 : i32
      %dma_wait3A_182 = arith.constant 0 : i32
      %dma_wait3A_183 = tpu.memref_slice %arg7[%add3A_181, %dma_wait3A_182] : memref<200x128xi32, #tpu.memory_space<vmem>> -> memref<1x128xi32, #tpu.memory_space<vmem>>
      %dma_wait3A_184 = tpu.memref_squeeze %dma_wait3A_183 : memref<1x128xi32, #tpu.memory_space<vmem>> -> memref<128xi32, #tpu.memory_space<vmem>>
      %dma_wait3A_185 = arith.constant 0 : i32
      %dma_wait3A_186 = arith.constant 0 : i32
      %dma_wait3A_187 = tpu.memref_slice %arg3[%dma_wait3A_185, %dma_wait3A_186] : memref<1000000x64xbf16, #tpu.memory_space<hbm>> -> memref<1000000x64xbf16, #tpu.memory_space<hbm>>
      tpu.wait_indirect_dma semaphore(%arg20 : memref<!tpu.dma_semaphore, #tpu.memory_space<semaphore_mem>>) src(%dma_wait3A_187 : memref<1000000x64xbf16, #tpu.memory_space<hbm>>) dst(%arg12 : memref<128x64xbf16, #tpu.memory_space<vmem>>)
      %scan3A_188 = arith.constant 0 : i32
      %scan3A_189 = arith.constant 128 : i32
      %scan3A_190 = arith.addi %scan3A_188, %scan3A_189 : i32
      %scan3A_191 = arith.constant 1 : i32
      scf.for %scan3A_300 = %scan3A_188 to %scan3A_190 step %scan3A_191  : i32 {
        %mul3A_301 = arith.constant 1 : i32
        %mul3A_302 = arith.muli %scan3A_300, %mul3A_301 : i32
        %add3A_303 = arith.constant 0 : i32
        %add3A_304 = arith.addi %add3A_303, %mul3A_302 : i32
        %get3A_305 = arith.index_cast %add3A_304 : i32 to index
        %get3A_306 = arith.constant 0 : index
        %get3A_307 = tpu.vector_load %arg9[%get3A_305, %get3A_306] {strides = array<i32>} : memref<128x64xbf16, #tpu.memory_space<vmem>>, vector<32xbf16>,
        %unpack3A = tpu.unpack_subelements %get3A_307, 0 {pack_format = #tpu.pack_format<interleaved>} : vector<32xbf16> -> vector<16xf32>
        %unpack3A_308 = tpu.unpack_subelements %get3A_307, 1 {pack_format = #tpu.pack_format<interleaved>} : vector<32xbf16> -> vector<16xf32>
        %add3A_309 = arith.addf %broadcast_in_dim3A_3, %unpack3A : vector<16xf32>
        %add3A_310 = arith.addf %broadcast_in_dim3A_3, %unpack3A_308 : vector<16xf32>
        %get3A_311 = arith.index_cast %add3A_304 : i32 to index
        %get3A_312 = arith.constant 0 : index
        %get3A_313 = tpu.vector_load %arg10[%get3A_311, %get3A_312] {strides = array<i32>} : memref<128x64xbf16, #tpu.memory_space<vmem>>, vector<32xbf16>,
        %unpack3A_314 = tpu.unpack_subelements %get3A_313, 0 {pack_format = #tpu.pack_format<interleaved>} : vector<32xbf16> -> vector<16xf32>
        %unpack3A_315 = tpu.unpack_subelements %get3A_313, 1 {pack_format = #tpu.pack_format<interleaved>} : vector<32xbf16> -> vector<16xf32>
        %add3A_316 = arith.addf %add3A_309, %unpack3A_314 : vector<16xf32>
        %add3A_317 = arith.addf %add3A_310, %unpack3A_315 : vector<16xf32>
        %get3A_318 = arith.index_cast %add3A_304 : i32 to index
        %get3A_319 = arith.constant 0 : index
        %get3A_320 = tpu.vector_load %arg11[%get3A_318, %get3A_319] {strides = array<i32>} : memref<128x64xbf16, #tpu.memory_space<vmem>>, vector<32xbf16>,
        %unpack3A_321 = tpu.unpack_subelements %get3A_320, 0 {pack_format = #tpu.pack_format<interleaved>} : vector<32xbf16> -> vector<16xf32>
        %unpack3A_322 = tpu.unpack_subelements %get3A_320, 1 {pack_format = #tpu.pack_format<interleaved>} : vector<32xbf16> -> vector<16xf32>
        %add3A_323 = arith.addf %add3A_316, %unpack3A_321 : vector<16xf32>
        %add3A_324 = arith.addf %add3A_317, %unpack3A_322 : vector<16xf32>
        %get3A_325 = arith.index_cast %add3A_304 : i32 to index
        %get3A_326 = arith.constant 0 : index
        %get3A_327 = tpu.vector_load %arg12[%get3A_325, %get3A_326] {strides = array<i32>} : memref<128x64xbf16, #tpu.memory_space<vmem>>, vector<32xbf16>,
        %unpack3A_328 = tpu.unpack_subelements %get3A_327, 0 {pack_format = #tpu.pack_format<interleaved>} : vector<32xbf16> -> vector<16xf32>
        %unpack3A_329 = tpu.unpack_subelements %get3A_327, 1 {pack_format = #tpu.pack_format<interleaved>} : vector<32xbf16> -> vector<16xf32>
        %add3A_330 = arith.addf %add3A_323, %unpack3A_328 : vector<16xf32>
        %add3A_331 = arith.addf %add3A_324, %unpack3A_329 : vector<16xf32>
        %mul3A_332 = arith.constant 64 : i32
        %mul3A_333 = arith.muli %add3A_304, %mul3A_332 : i32
        %add3A_334 = arith.constant 0 : i32
        %add3A_335 = arith.addi %mul3A_333, %add3A_334 : i32
        %mul3A_336 = arith.constant 64 : i32
        %mul3A_337 = arith.muli %add3A_304, %mul3A_336 : i32
        %add3A_338 = arith.constant 0 : i32
        %add3A_339 = arith.addi %mul3A_337, %add3A_338 : i32
        %add3A_340 = arith.constant 16 : i32
        %add3A_341 = arith.addi %add3A_339, %add3A_340 : i32
        %get3A_342 = arith.index_cast %add3A_335 : i32 to index
        %get3A_343 = tpu.vector_load %arg8[%get3A_342] {strides = array<i32>} : memref<8192xf32, #tpu.memory_space<vmem>>, vector<16xf32>,
        %add3A_344 = arith.addf %get3A_343, %add3A_330 : vector<16xf32>
        %swap3A = arith.index_cast %add3A_335 : i32 to index
        %swap3A_345 = tpu.vector_load %arg8[%swap3A] {strides = array<i32>} : memref<8192xf32, #tpu.memory_space<vmem>>, vector<16xf32>,
        tpu.vector_store %arg8[%swap3A], %add3A_344 {strides = array<i32>} : memref<8192xf32, #tpu.memory_space<vmem>>, vector<16xf32>,
        %get3A_346 = arith.index_cast %add3A_341 : i32 to index
        %get3A_347 = tpu.vector_load %arg8[%get3A_346] {strides = array<i32>} : memref<8192xf32, #tpu.memory_space<vmem>>, vector<16xf32>,
        %add3A_348 = arith.addf %get3A_347, %add3A_331 : vector<16xf32>
        %swap3A_349 = arith.index_cast %add3A_341 : i32 to index
        %swap3A_350 = tpu.vector_load %arg8[%swap3A_349] {strides = array<i32>} : memref<8192xf32, #tpu.memory_space<vmem>>, vector<16xf32>,
        tpu.vector_store %arg8[%swap3A_349], %add3A_348 {strides = array<i32>} : memref<8192xf32, #tpu.memory_space<vmem>>, vector<16xf32>,
        %get3A_351 = arith.index_cast %add3A_304 : i32 to index
        %get3A_352 = arith.constant 32 : index
        %get3A_353 = tpu.vector_load %arg9[%get3A_351, %get3A_352] {strides = array<i32>} : memref<128x64xbf16, #tpu.memory_space<vmem>>, vector<32xbf16>,
        %unpack3A_354 = tpu.unpack_subelements %get3A_353, 0 {pack_format = #tpu.pack_format<interleaved>} : vector<32xbf16> -> vector<16xf32>
        %unpack3A_355 = tpu.unpack_subelements %get3A_353, 1 {pack_format = #tpu.pack_format<interleaved>} : vector<32xbf16> -> vector<16xf32>
        %add3A_356 = arith.addf %broadcast_in_dim3A_3, %unpack3A_354 : vector<16xf32>
        %add3A_357 = arith.addf %broadcast_in_dim3A_3, %unpack3A_355 : vector<16xf32>
        %get3A_358 = arith.index_cast %add3A_304 : i32 to index
        %get3A_359 = arith.constant 32 : index
        %get3A_360 = tpu.vector_load %arg10[%get3A_358, %get3A_359] {strides = array<i32>} : memref<128x64xbf16, #tpu.memory_space<vmem>>, vector<32xbf16>,
        %unpack3A_361 = tpu.unpack_subelements %get3A_360, 0 {pack_format = #tpu.pack_format<interleaved>} : vector<32xbf16> -> vector<16xf32>
        %unpack3A_362 = tpu.unpack_subelements %get3A_360, 1 {pack_format = #tpu.pack_format<interleaved>} : vector<32xbf16> -> vector<16xf32>
        %add3A_363 = arith.addf %add3A_356, %unpack3A_361 : vector<16xf32>
        %add3A_364 = arith.addf %add3A_357, %unpack3A_362 : vector<16xf32>
        %get3A_365 = arith.index_cast %add3A_304 : i32 to index
        %get3A_366 = arith.constant 32 : index
        %get3A_367 = tpu.vector_load %arg11[%get3A_365, %get3A_366] {strides = array<i32>} : memref<128x64xbf16, #tpu.memory_space<vmem>>, vector<32xbf16>,
        %unpack3A_368 = tpu.unpack_subelements %get3A_367, 0 {pack_format = #tpu.pack_format<interleaved>} : vector<32xbf16> -> vector<16xf32>
        %unpack3A_369 = tpu.unpack_subelements %get3A_367, 1 {pack_format = #tpu.pack_format<interleaved>} : vector<32xbf16> -> vector<16xf32>
        %add3A_370 = arith.addf %add3A_363, %unpack3A_368 : vector<16xf32>
        %add3A_371 = arith.addf %add3A_364, %unpack3A_369 : vector<16xf32>
        %get3A_372 = arith.index_cast %add3A_304 : i32 to index
        %get3A_373 = arith.constant 32 : index
        %get3A_374 = tpu.vector_load %arg12[%get3A_372, %get3A_373] {strides = array<i32>} : memref<128x64xbf16, #tpu.memory_space<vmem>>, vector<32xbf16>,
        %unpack3A_375 = tpu.unpack_subelements %get3A_374, 0 {pack_format = #tpu.pack_format<interleaved>} : vector<32xbf16> -> vector<16xf32>
        %unpack3A_376 = tpu.unpack_subelements %get3A_374, 1 {pack_format = #tpu.pack_format<interleaved>} : vector<32xbf16> -> vector<16xf32>
        %add3A_377 = arith.addf %add3A_370, %unpack3A_375 : vector<16xf32>
        %add3A_378 = arith.addf %add3A_371, %unpack3A_376 : vector<16xf32>
        %mul3A_379 = arith.constant 64 : i32
        %mul3A_380 = arith.muli %add3A_304, %mul3A_379 : i32
        %add3A_381 = arith.constant 32 : i32
        %add3A_382 = arith.addi %mul3A_380, %add3A_381 : i32
        %mul3A_383 = arith.constant 64 : i32
        %mul3A_384 = arith.muli %add3A_304, %mul3A_383 : i32
        %add3A_385 = arith.constant 32 : i32
        %add3A_386 = arith.addi %mul3A_384, %add3A_385 : i32
        %add3A_387 = arith.constant 16 : i32
        %add3A_388 = arith.addi %add3A_386, %add3A_387 : i32
        %get3A_389 = arith.index_cast %add3A_382 : i32 to index
        %get3A_390 = tpu.vector_load %arg8[%get3A_389] {strides = array<i32>} : memref<8192xf32, #tpu.memory_space<vmem>>, vector<16xf32>,
        %add3A_391 = arith.addf %get3A_390, %add3A_377 : vector<16xf32>
        %swap3A_392 = arith.index_cast %add3A_382 : i32 to index
        %swap3A_393 = tpu.vector_load %arg8[%swap3A_392] {strides = array<i32>} : memref<8192xf32, #tpu.memory_space<vmem>>, vector<16xf32>,
        tpu.vector_store %arg8[%swap3A_392], %add3A_391 {strides = array<i32>} : memref<8192xf32, #tpu.memory_space<vmem>>, vector<16xf32>,
        %get3A_394 = arith.index_cast %add3A_388 : i32 to index
        %get3A_395 = tpu.vector_load %arg8[%get3A_394] {strides = array<i32>} : memref<8192xf32, #tpu.memory_space<vmem>>, vector<16xf32>,
        %add3A_396 = arith.addf %get3A_395, %add3A_378 : vector<16xf32>
        %swap3A_397 = arith.index_cast %add3A_388 : i32 to index
        %swap3A_398 = tpu.vector_load %arg8[%swap3A_397] {strides = array<i32>} : memref<8192xf32, #tpu.memory_space<vmem>>, vector<16xf32>,
        tpu.vector_store %arg8[%swap3A_397], %add3A_396 {strides = array<i32>} : memref<8192xf32, #tpu.memory_space<vmem>>, vector<16xf32>,
      }
      %scan3A_192 = arith.constant 128 : i32
      %add3A_193 = arith.constant 8 : i32
      %add3A_194 = arith.addi %mul3A_155, %add3A_193 : i32
      %add3A_195 = arith.constant 0 : i32
      %add3A_196 = arith.addi %add3A_194, %add3A_195 : i32
      %dma_start3A_197 = arith.constant 0 : i32
      %dma_start3A_198 = tpu.memref_slice %arg7[%add3A_196, %dma_start3A_197] : memref<200x128xi32, #tpu.memory_space<vmem>> -> memref<1x128xi32, #tpu.memory_space<vmem>>
      %dma_start3A_199 = tpu.memref_squeeze %dma_start3A_198 : memref<1x128xi32, #tpu.memory_space<vmem>> -> memref<128xi32, #tpu.memory_space<vmem>>
      %dma_start3A_200 = arith.constant 0 : i32
      %dma_start3A_201 = arith.constant 0 : i32
      %dma_start3A_202 = tpu.memref_slice %arg3[%dma_start3A_200, %dma_start3A_201] : memref<1000000x64xbf16, #tpu.memory_space<hbm>> -> memref<1000000x64xbf16, #tpu.memory_space<hbm>>
      tpu.enqueue_indirect_dma source(%dma_start3A_202 : memref<1000000x64xbf16, #tpu.memory_space<hbm>>) target(%arg9 : memref<128x64xbf16, #tpu.memory_space<vmem>>) offsets(%dma_start3A_199 : memref<128xi32, #tpu.memory_space<vmem>>) semaphore(%arg20 : memref<!tpu.dma_semaphore, #tpu.memory_space<semaphore_mem>>)
      %add3A_203 = arith.constant 1 : i32
      %add3A_204 = arith.addi %add3A_194, %add3A_203 : i32
      %dma_start3A_205 = arith.constant 0 : i32
      %dma_start3A_206 = tpu.memref_slice %arg7[%add3A_204, %dma_start3A_205] : memref<200x128xi32, #tpu.memory_space<vmem>> -> memref<1x128xi32, #tpu.memory_space<vmem>>
      %dma_start3A_207 = tpu.memref_squeeze %dma_start3A_206 : memref<1x128xi32, #tpu.memory_space<vmem>> -> memref<128xi32, #tpu.memory_space<vmem>>
      %dma_start3A_208 = arith.constant 0 : i32
      %dma_start3A_209 = arith.constant 0 : i32
      %dma_start3A_210 = tpu.memref_slice %arg3[%dma_start3A_208, %dma_start3A_209] : memref<1000000x64xbf16, #tpu.memory_space<hbm>> -> memref<1000000x64xbf16, #tpu.memory_space<hbm>>
      tpu.enqueue_indirect_dma source(%dma_start3A_210 : memref<1000000x64xbf16, #tpu.memory_space<hbm>>) target(%arg10 : memref<128x64xbf16, #tpu.memory_space<vmem>>) offsets(%dma_start3A_207 : memref<128xi32, #tpu.memory_space<vmem>>) semaphore(%arg20 : memref<!tpu.dma_semaphore, #tpu.memory_space<semaphore_mem>>)
      %add3A_211 = arith.constant 2 : i32
      %add3A_212 = arith.addi %add3A_194, %add3A_211 : i32
      %dma_start3A_213 = arith.constant 0 : i32
      %dma_start3A_214 = tpu.memref_slice %arg7[%add3A_212, %dma_start3A_213] : memref<200x128xi32, #tpu.memory_space<vmem>> -> memref<1x128xi32, #tpu.memory_space<vmem>>
      %dma_start3A_215 = tpu.memref_squeeze %dma_start3A_214 : memref<1x128xi32, #tpu.memory_space<vmem>> -> memref<128xi32, #tpu.memory_space<vmem>>
      %dma_start3A_216 = arith.constant 0 : i32
      %dma_start3A_217 = arith.constant 0 : i32
      %dma_start3A_218 = tpu.memref_slice %arg3[%dma_start3A_216, %dma_start3A_217] : memref<1000000x64xbf16, #tpu.memory_space<hbm>> -> memref<1000000x64xbf16, #tpu.memory_space<hbm>>
      tpu.enqueue_indirect_dma source(%dma_start3A_218 : memref<1000000x64xbf16, #tpu.memory_space<hbm>>) target(%arg11 : memref<128x64xbf16, #tpu.memory_space<vmem>>) offsets(%dma_start3A_215 : memref<128xi32, #tpu.memory_space<vmem>>) semaphore(%arg20 : memref<!tpu.dma_semaphore, #tpu.memory_space<semaphore_mem>>)
      %add3A_219 = arith.constant 3 : i32
      %add3A_220 = arith.addi %add3A_194, %add3A_219 : i32
      %dma_start3A_221 = arith.constant 0 : i32
      %dma_start3A_222 = tpu.memref_slice %arg7[%add3A_220, %dma_start3A_221] : memref<200x128xi32, #tpu.memory_space<vmem>> -> memref<1x128xi32, #tpu.memory_space<vmem>>
      %dma_start3A_223 = tpu.memref_squeeze %dma_start3A_222 : memref<1x128xi32, #tpu.memory_space<vmem>> -> memref<128xi32, #tpu.memory_space<vmem>>
      %dma_start3A_224 = arith.constant 0 : i32
      %dma_start3A_225 = arith.constant 0 : i32
      %dma_start3A_226 = tpu.memref_slice %arg3[%dma_start3A_224, %dma_start3A_225] : memref<1000000x64xbf16, #tpu.memory_space<hbm>> -> memref<1000000x64xbf16, #tpu.memory_space<hbm>>
      tpu.enqueue_indirect_dma source(%dma_start3A_226 : memref<1000000x64xbf16, #tpu.memory_space<hbm>>) target(%arg12 : memref<128x64xbf16, #tpu.memory_space<vmem>>) offsets(%dma_start3A_223 : memref<128xi32, #tpu.memory_space<vmem>>) semaphore(%arg20 : memref<!tpu.dma_semaphore, #tpu.memory_space<semaphore_mem>>)
      %add3A_227 = arith.constant 4 : i32
      %add3A_228 = arith.addi %mul3A_155, %add3A_227 : i32
      %add3A_229 = arith.constant 0 : i32
      %add3A_230 = arith.addi %add3A_228, %add3A_229 : i32
      %dma_wait3A_231 = arith.constant 0 : i32
      %dma_wait3A_232 = tpu.memref_slice %arg7[%add3A_230, %dma_wait3A_231] : memref<200x128xi32, #tpu.memory_space<vmem>> -> memref<1x128xi32, #tpu.memory_space<vmem>>
      %dma_wait3A_233 = tpu.memref_squeeze %dma_wait3A_232 : memref<1x128xi32, #tpu.memory_space<vmem>> -> memref<128xi32, #tpu.memory_space<vmem>>
      %dma_wait3A_234 = arith.constant 0 : i32
      %dma_wait3A_235 = arith.constant 0 : i32
      %dma_wait3A_236 = tpu.memref_slice %arg3[%dma_wait3A_234, %dma_wait3A_235] : memref<1000000x64xbf16, #tpu.memory_space<hbm>> -> memref<1000000x64xbf16, #tpu.memory_space<hbm>>
      tpu.wait_indirect_dma semaphore(%arg21 : memref<!tpu.dma_semaphore, #tpu.memory_space<semaphore_mem>>) src(%dma_wait3A_236 : memref<1000000x64xbf16, #tpu.memory_space<hbm>>) dst(%arg13 : memref<128x64xbf16, #tpu.memory_space<vmem>>)
      %add3A_237 = arith.constant 1 : i32
      %add3A_238 = arith.addi %add3A_228, %add3A_237 : i32
      %dma_wait3A_239 = arith.constant 0 : i32
      %dma_wait3A_240 = tpu.memref_slice %arg7[%add3A_238, %dma_wait3A_239] : memref<200x128xi32, #tpu.memory_space<vmem>> -> memref<1x128xi32, #tpu.memory_space<vmem>>
      %dma_wait3A_241 = tpu.memref_squeeze %dma_wait3A_240 : memref<1x128xi32, #tpu.memory_space<vmem>> -> memref<128xi32, #tpu.memory_space<vmem>>
      %dma_wait3A_242 = arith.constant 0 : i32
      %dma_wait3A_243 = arith.constant 0 : i32
      %dma_wait3A_244 = tpu.memref_slice %arg3[%dma_wait3A_242, %dma_wait3A_243] : memref<1000000x64xbf16, #tpu.memory_space<hbm>> -> memref<1000000x64xbf16, #tpu.memory_space<hbm>>
      tpu.wait_indirect_dma semaphore(%arg21 : memref<!tpu.dma_semaphore, #tpu.memory_space<semaphore_mem>>) src(%dma_wait3A_244 : memref<1000000x64xbf16, #tpu.memory_space<hbm>>) dst(%arg14 : memref<128x64xbf16, #tpu.memory_space<vmem>>)
      %add3A_245 = arith.constant 2 : i32
      %add3A_246 = arith.addi %add3A_228, %add3A_245 : i32
      %dma_wait3A_247 = arith.constant 0 : i32
      %dma_wait3A_248 = tpu.memref_slice %arg7[%add3A_246, %dma_wait3A_247] : memref<200x128xi32, #tpu.memory_space<vmem>> -> memref<1x128xi32, #tpu.memory_space<vmem>>
      %dma_wait3A_249 = tpu.memref_squeeze %dma_wait3A_248 : memref<1x128xi32, #tpu.memory_space<vmem>> -> memref<128xi32, #tpu.memory_space<vmem>>
      %dma_wait3A_250 = arith.constant 0 : i32
      %dma_wait3A_251 = arith.constant 0 : i32
      %dma_wait3A_252 = tpu.memref_slice %arg3[%dma_wait3A_250, %dma_wait3A_251] : memref<1000000x64xbf16, #tpu.memory_space<hbm>> -> memref<1000000x64xbf16, #tpu.memory_space<hbm>>
      tpu.wait_indirect_dma semaphore(%arg21 : memref<!tpu.dma_semaphore, #tpu.memory_space<semaphore_mem>>) src(%dma_wait3A_252 : memref<1000000x64xbf16, #tpu.memory_space<hbm>>) dst(%arg15 : memref<128x64xbf16, #tpu.memory_space<vmem>>)
      %add3A_253 = arith.constant 3 : i32
      %add3A_254 = arith.addi %add3A_228, %add3A_253 : i32
      %dma_wait3A_255 = arith.constant 0 : i32
      %dma_wait3A_256 = tpu.memref_slice %arg7[%add3A_254, %dma_wait3A_255] : memref<200x128xi32, #tpu.memory_space<vmem>> -> memref<1x128xi32, #tpu.memory_space<vmem>>
      %dma_wait3A_257 = tpu.memref_squeeze %dma_wait3A_256 : memref<1x128xi32, #tpu.memory_space<vmem>> -> memref<128xi32, #tpu.memory_space<vmem>>
      %dma_wait3A_258 = arith.constant 0 : i32
      %dma_wait3A_259 = arith.constant 0 : i32
      %dma_wait3A_260 = tpu.memref_slice %arg3[%dma_wait3A_258, %dma_wait3A_259] : memref<1000000x64xbf16, #tpu.memory_space<hbm>> -> memref<1000000x64xbf16, #tpu.memory_space<hbm>>
      tpu.wait_indirect_dma semaphore(%arg21 : memref<!tpu.dma_semaphore, #tpu.memory_space<semaphore_mem>>) src(%dma_wait3A_260 : memref<1000000x64xbf16, #tpu.memory_space<hbm>>) dst(%arg16 : memref<128x64xbf16, #tpu.memory_space<vmem>>)
      %scan3A_261 = arith.constant 0 : i32
      %scan3A_262 = arith.constant 128 : i32
      %scan3A_263 = arith.addi %scan3A_261, %scan3A_262 : i32
      %scan3A_264 = arith.constant 1 : i32
      scf.for %scan3A_300 = %scan3A_261 to %scan3A_263 step %scan3A_264  : i32 {
        %mul3A_301 = arith.constant 1 : i32
        %mul3A_302 = arith.muli %scan3A_300, %mul3A_301 : i32
        %add3A_303 = arith.constant 0 : i32
        %add3A_304 = arith.addi %add3A_303, %mul3A_302 : i32
        %get3A_305 = arith.index_cast %add3A_304 : i32 to index
        %get3A_306 = arith.constant 0 : index
        %get3A_307 = tpu.vector_load %arg13[%get3A_305, %get3A_306] {strides = array<i32>} : memref<128x64xbf16, #tpu.memory_space<vmem>>, vector<32xbf16>,
        %unpack3A = tpu.unpack_subelements %get3A_307, 0 {pack_format = #tpu.pack_format<interleaved>} : vector<32xbf16> -> vector<16xf32>
        %unpack3A_308 = tpu.unpack_subelements %get3A_307, 1 {pack_format = #tpu.pack_format<interleaved>} : vector<32xbf16> -> vector<16xf32>
        %add3A_309 = arith.addf %broadcast_in_dim3A_3, %unpack3A : vector<16xf32>
        %add3A_310 = arith.addf %broadcast_in_dim3A_3, %unpack3A_308 : vector<16xf32>
        %get3A_311 = arith.index_cast %add3A_304 : i32 to index
        %get3A_312 = arith.constant 0 : index
        %get3A_313 = tpu.vector_load %arg14[%get3A_311, %get3A_312] {strides = array<i32>} : memref<128x64xbf16, #tpu.memory_space<vmem>>, vector<32xbf16>,
        %unpack3A_314 = tpu.unpack_subelements %get3A_313, 0 {pack_format = #tpu.pack_format<interleaved>} : vector<32xbf16> -> vector<16xf32>
        %unpack3A_315 = tpu.unpack_subelements %get3A_313, 1 {pack_format = #tpu.pack_format<interleaved>} : vector<32xbf16> -> vector<16xf32>
        %add3A_316 = arith.addf %add3A_309, %unpack3A_314 : vector<16xf32>
        %add3A_317 = arith.addf %add3A_310, %unpack3A_315 : vector<16xf32>
        %get3A_318 = arith.index_cast %add3A_304 : i32 to index
        %get3A_319 = arith.constant 0 : index
        %get3A_320 = tpu.vector_load %arg15[%get3A_318, %get3A_319] {strides = array<i32>} : memref<128x64xbf16, #tpu.memory_space<vmem>>, vector<32xbf16>,
        %unpack3A_321 = tpu.unpack_subelements %get3A_320, 0 {pack_format = #tpu.pack_format<interleaved>} : vector<32xbf16> -> vector<16xf32>
        %unpack3A_322 = tpu.unpack_subelements %get3A_320, 1 {pack_format = #tpu.pack_format<interleaved>} : vector<32xbf16> -> vector<16xf32>
        %add3A_323 = arith.addf %add3A_316, %unpack3A_321 : vector<16xf32>
        %add3A_324 = arith.addf %add3A_317, %unpack3A_322 : vector<16xf32>
        %get3A_325 = arith.index_cast %add3A_304 : i32 to index
        %get3A_326 = arith.constant 0 : index
        %get3A_327 = tpu.vector_load %arg16[%get3A_325, %get3A_326] {strides = array<i32>} : memref<128x64xbf16, #tpu.memory_space<vmem>>, vector<32xbf16>,
        %unpack3A_328 = tpu.unpack_subelements %get3A_327, 0 {pack_format = #tpu.pack_format<interleaved>} : vector<32xbf16> -> vector<16xf32>
        %unpack3A_329 = tpu.unpack_subelements %get3A_327, 1 {pack_format = #tpu.pack_format<interleaved>} : vector<32xbf16> -> vector<16xf32>
        %add3A_330 = arith.addf %add3A_323, %unpack3A_328 : vector<16xf32>
        %add3A_331 = arith.addf %add3A_324, %unpack3A_329 : vector<16xf32>
        %mul3A_332 = arith.constant 64 : i32
        %mul3A_333 = arith.muli %add3A_304, %mul3A_332 : i32
        %add3A_334 = arith.constant 0 : i32
        %add3A_335 = arith.addi %mul3A_333, %add3A_334 : i32
        %mul3A_336 = arith.constant 64 : i32
        %mul3A_337 = arith.muli %add3A_304, %mul3A_336 : i32
        %add3A_338 = arith.constant 0 : i32
        %add3A_339 = arith.addi %mul3A_337, %add3A_338 : i32
        %add3A_340 = arith.constant 16 : i32
        %add3A_341 = arith.addi %add3A_339, %add3A_340 : i32
        %get3A_342 = arith.index_cast %add3A_335 : i32 to index
        %get3A_343 = tpu.vector_load %arg8[%get3A_342] {strides = array<i32>} : memref<8192xf32, #tpu.memory_space<vmem>>, vector<16xf32>,
        %add3A_344 = arith.addf %get3A_343, %add3A_330 : vector<16xf32>
        %swap3A = arith.index_cast %add3A_335 : i32 to index
        %swap3A_345 = tpu.vector_load %arg8[%swap3A] {strides = array<i32>} : memref<8192xf32, #tpu.memory_space<vmem>>, vector<16xf32>,
        tpu.vector_store %arg8[%swap3A], %add3A_344 {strides = array<i32>} : memref<8192xf32, #tpu.memory_space<vmem>>, vector<16xf32>,
        %get3A_346 = arith.index_cast %add3A_341 : i32 to index
        %get3A_347 = tpu.vector_load %arg8[%get3A_346] {strides = array<i32>} : memref<8192xf32, #tpu.memory_space<vmem>>, vector<16xf32>,
        %add3A_348 = arith.addf %get3A_347, %add3A_331 : vector<16xf32>
        %swap3A_349 = arith.index_cast %add3A_341 : i32 to index
        %swap3A_350 = tpu.vector_load %arg8[%swap3A_349] {strides = array<i32>} : memref<8192xf32, #tpu.memory_space<vmem>>, vector<16xf32>,
        tpu.vector_store %arg8[%swap3A_349], %add3A_348 {strides = array<i32>} : memref<8192xf32, #tpu.memory_space<vmem>>, vector<16xf32>,
        %get3A_351 = arith.index_cast %add3A_304 : i32 to index
        %get3A_352 = arith.constant 32 : index
        %get3A_353 = tpu.vector_load %arg13[%get3A_351, %get3A_352] {strides = array<i32>} : memref<128x64xbf16, #tpu.memory_space<vmem>>, vector<32xbf16>,
        %unpack3A_354 = tpu.unpack_subelements %get3A_353, 0 {pack_format = #tpu.pack_format<interleaved>} : vector<32xbf16> -> vector<16xf32>
        %unpack3A_355 = tpu.unpack_subelements %get3A_353, 1 {pack_format = #tpu.pack_format<interleaved>} : vector<32xbf16> -> vector<16xf32>
        %add3A_356 = arith.addf %broadcast_in_dim3A_3, %unpack3A_354 : vector<16xf32>
        %add3A_357 = arith.addf %broadcast_in_dim3A_3, %unpack3A_355 : vector<16xf32>
        %get3A_358 = arith.index_cast %add3A_304 : i32 to index
        %get3A_359 = arith.constant 32 : index
        %get3A_360 = tpu.vector_load %arg14[%get3A_358, %get3A_359] {strides = array<i32>} : memref<128x64xbf16, #tpu.memory_space<vmem>>, vector<32xbf16>,
        %unpack3A_361 = tpu.unpack_subelements %get3A_360, 0 {pack_format = #tpu.pack_format<interleaved>} : vector<32xbf16> -> vector<16xf32>
        %unpack3A_362 = tpu.unpack_subelements %get3A_360, 1 {pack_format = #tpu.pack_format<interleaved>} : vector<32xbf16> -> vector<16xf32>
        %add3A_363 = arith.addf %add3A_356, %unpack3A_361 : vector<16xf32>
        %add3A_364 = arith.addf %add3A_357, %unpack3A_362 : vector<16xf32>
        %get3A_365 = arith.index_cast %add3A_304 : i32 to index
        %get3A_366 = arith.constant 32 : index
        %get3A_367 = tpu.vector_load %arg15[%get3A_365, %get3A_366] {strides = array<i32>} : memref<128x64xbf16, #tpu.memory_space<vmem>>, vector<32xbf16>,
        %unpack3A_368 = tpu.unpack_subelements %get3A_367, 0 {pack_format = #tpu.pack_format<interleaved>} : vector<32xbf16> -> vector<16xf32>
        %unpack3A_369 = tpu.unpack_subelements %get3A_367, 1 {pack_format = #tpu.pack_format<interleaved>} : vector<32xbf16> -> vector<16xf32>
        %add3A_370 = arith.addf %add3A_363, %unpack3A_368 : vector<16xf32>
        %add3A_371 = arith.addf %add3A_364, %unpack3A_369 : vector<16xf32>
        %get3A_372 = arith.index_cast %add3A_304 : i32 to index
        %get3A_373 = arith.constant 32 : index
        %get3A_374 = tpu.vector_load %arg16[%get3A_372, %get3A_373] {strides = array<i32>} : memref<128x64xbf16, #tpu.memory_space<vmem>>, vector<32xbf16>,
        %unpack3A_375 = tpu.unpack_subelements %get3A_374, 0 {pack_format = #tpu.pack_format<interleaved>} : vector<32xbf16> -> vector<16xf32>
        %unpack3A_376 = tpu.unpack_subelements %get3A_374, 1 {pack_format = #tpu.pack_format<interleaved>} : vector<32xbf16> -> vector<16xf32>
        %add3A_377 = arith.addf %add3A_370, %unpack3A_375 : vector<16xf32>
        %add3A_378 = arith.addf %add3A_371, %unpack3A_376 : vector<16xf32>
        %mul3A_379 = arith.constant 64 : i32
        %mul3A_380 = arith.muli %add3A_304, %mul3A_379 : i32
        %add3A_381 = arith.constant 32 : i32
        %add3A_382 = arith.addi %mul3A_380, %add3A_381 : i32
        %mul3A_383 = arith.constant 64 : i32
        %mul3A_384 = arith.muli %add3A_304, %mul3A_383 : i32
        %add3A_385 = arith.constant 32 : i32
        %add3A_386 = arith.addi %mul3A_384, %add3A_385 : i32
        %add3A_387 = arith.constant 16 : i32
        %add3A_388 = arith.addi %add3A_386, %add3A_387 : i32
        %get3A_389 = arith.index_cast %add3A_382 : i32 to index
        %get3A_390 = tpu.vector_load %arg8[%get3A_389] {strides = array<i32>} : memref<8192xf32, #tpu.memory_space<vmem>>, vector<16xf32>,
        %add3A_391 = arith.addf %get3A_390, %add3A_377 : vector<16xf32>
        %swap3A_392 = arith.index_cast %add3A_382 : i32 to index
        %swap3A_393 = tpu.vector_load %arg8[%swap3A_392] {strides = array<i32>} : memref<8192xf32, #tpu.memory_space<vmem>>, vector<16xf32>,
        tpu.vector_store %arg8[%swap3A_392], %add3A_391 {strides = array<i32>} : memref<8192xf32, #tpu.memory_space<vmem>>, vector<16xf32>,
        %get3A_394 = arith.index_cast %add3A_388 : i32 to index
        %get3A_395 = tpu.vector_load %arg8[%get3A_394] {strides = array<i32>} : memref<8192xf32, #tpu.memory_space<vmem>>, vector<16xf32>,
        %add3A_396 = arith.addf %get3A_395, %add3A_378 : vector<16xf32>
        %swap3A_397 = arith.index_cast %add3A_388 : i32 to index
        %swap3A_398 = tpu.vector_load %arg8[%swap3A_397] {strides = array<i32>} : memref<8192xf32, #tpu.memory_space<vmem>>, vector<16xf32>,
        tpu.vector_store %arg8[%swap3A_397], %add3A_396 {strides = array<i32>} : memref<8192xf32, #tpu.memory_space<vmem>>, vector<16xf32>,
      }
      %scan3A_265 = arith.constant 128 : i32
      %add3A_266 = arith.constant 12 : i32
      %add3A_267 = arith.addi %mul3A_155, %add3A_266 : i32
      %add3A_268 = arith.constant 0 : i32
      %add3A_269 = arith.addi %add3A_267, %add3A_268 : i32
      %dma_start3A_270 = arith.constant 0 : i32
      %dma_start3A_271 = tpu.memref_slice %arg7[%add3A_269, %dma_start3A_270] : memref<200x128xi32, #tpu.memory_space<vmem>> -> memref<1x128xi32, #tpu.memory_space<vmem>>
      %dma_start3A_272 = tpu.memref_squeeze %dma_start3A_271 : memref<1x128xi32, #tpu.memory_space<vmem>> -> memref<128xi32, #tpu.memory_space<vmem>>
      %dma_start3A_273 = arith.constant 0 : i32
      %dma_start3A_274 = arith.constant 0 : i32
      %dma_start3A_275 = tpu.memref_slice %arg3[%dma_start3A_273, %dma_start3A_274] : memref<1000000x64xbf16, #tpu.memory_space<hbm>> -> memref<1000000x64xbf16, #tpu.memory_space<hbm>>
      tpu.enqueue_indirect_dma source(%dma_start3A_275 : memref<1000000x64xbf16, #tpu.memory_space<hbm>>) target(%arg13 : memref<128x64xbf16, #tpu.memory_space<vmem>>) offsets(%dma_start3A_272 : memref<128xi32, #tpu.memory_space<vmem>>) semaphore(%arg21 : memref<!tpu.dma_semaphore, #tpu.memory_space<semaphore_mem>>)
      %add3A_276 = arith.constant 1 : i32
      %add3A_277 = arith.addi %add3A_267, %add3A_276 : i32
      %dma_start3A_278 = arith.constant 0 : i32
      %dma_start3A_279 = tpu.memref_slice %arg7[%add3A_277, %dma_start3A_278] : memref<200x128xi32, #tpu.memory_space<vmem>> -> memref<1x128xi32, #tpu.memory_space<vmem>>
      %dma_start3A_280 = tpu.memref_squeeze %dma_start3A_279 : memref<1x128xi32, #tpu.memory_space<vmem>> -> memref<128xi32, #tpu.memory_space<vmem>>
      %dma_start3A_281 = arith.constant 0 : i32
      %dma_start3A_282 = arith.constant 0 : i32
      %dma_start3A_283 = tpu.memref_slice %arg3[%dma_start3A_281, %dma_start3A_282] : memref<1000000x64xbf16, #tpu.memory_space<hbm>> -> memref<1000000x64xbf16, #tpu.memory_space<hbm>>
      tpu.enqueue_indirect_dma source(%dma_start3A_283 : memref<1000000x64xbf16, #tpu.memory_space<hbm>>) target(%arg14 : memref<128x64xbf16, #tpu.memory_space<vmem>>) offsets(%dma_start3A_280 : memref<128xi32, #tpu.memory_space<vmem>>) semaphore(%arg21 : memref<!tpu.dma_semaphore, #tpu.memory_space<semaphore_mem>>)
      %add3A_284 = arith.constant 2 : i32
      %add3A_285 = arith.addi %add3A_267, %add3A_284 : i32
      %dma_start3A_286 = arith.constant 0 : i32
      %dma_start3A_287 = tpu.memref_slice %arg7[%add3A_285, %dma_start3A_286] : memref<200x128xi32, #tpu.memory_space<vmem>> -> memref<1x128xi32, #tpu.memory_space<vmem>>
      %dma_start3A_288 = tpu.memref_squeeze %dma_start3A_287 : memref<1x128xi32, #tpu.memory_space<vmem>> -> memref<128xi32, #tpu.memory_space<vmem>>
      %dma_start3A_289 = arith.constant 0 : i32
      %dma_start3A_290 = arith.constant 0 : i32
      %dma_start3A_291 = tpu.memref_slice %arg3[%dma_start3A_289, %dma_start3A_290] : memref<1000000x64xbf16, #tpu.memory_space<hbm>> -> memref<1000000x64xbf16, #tpu.memory_space<hbm>>
      tpu.enqueue_indirect_dma source(%dma_start3A_291 : memref<1000000x64xbf16, #tpu.memory_space<hbm>>) target(%arg15 : memref<128x64xbf16, #tpu.memory_space<vmem>>) offsets(%dma_start3A_288 : memref<128xi32, #tpu.memory_space<vmem>>) semaphore(%arg21 : memref<!tpu.dma_semaphore, #tpu.memory_space<semaphore_mem>>)
      %add3A_292 = arith.constant 3 : i32
      %add3A_293 = arith.addi %add3A_267, %add3A_292 : i32
      %dma_start3A_294 = arith.constant 0 : i32
      %dma_start3A_295 = tpu.memref_slice %arg7[%add3A_293, %dma_start3A_294] : memref<200x128xi32, #tpu.memory_space<vmem>> -> memref<1x128xi32, #tpu.memory_space<vmem>>
      %dma_start3A_296 = tpu.memref_squeeze %dma_start3A_295 : memref<1x128xi32, #tpu.memory_space<vmem>> -> memref<128xi32, #tpu.memory_space<vmem>>
      %dma_start3A_297 = arith.constant 0 : i32
      %dma_start3A_298 = arith.constant 0 : i32
      %dma_start3A_299 = tpu.memref_slice %arg3[%dma_start3A_297, %dma_start3A_298] : memref<1000000x64xbf16, #tpu.memory_space<hbm>> -> memref<1000000x64xbf16, #tpu.memory_space<hbm>>
      tpu.enqueue_indirect_dma source(%dma_start3A_299 : memref<1000000x64xbf16, #tpu.memory_space<hbm>>) target(%arg16 : memref<128x64xbf16, #tpu.memory_space<vmem>>) offsets(%dma_start3A_296 : memref<128xi32, #tpu.memory_space<vmem>>) semaphore(%arg21 : memref<!tpu.dma_semaphore, #tpu.memory_space<semaphore_mem>>)
    }
    %scan3A_67 = arith.constant 24 : i32
    %dma_wait3A = arith.constant 192 : i32
    %dma_wait3A_68 = arith.constant 0 : i32
    %dma_wait3A_69 = tpu.memref_slice %arg7[%dma_wait3A, %dma_wait3A_68] : memref<200x128xi32, #tpu.memory_space<vmem>> -> memref<1x128xi32, #tpu.memory_space<vmem>>
    %dma_wait3A_70 = tpu.memref_squeeze %dma_wait3A_69 : memref<1x128xi32, #tpu.memory_space<vmem>> -> memref<128xi32, #tpu.memory_space<vmem>>
    %dma_wait3A_71 = arith.constant 0 : i32
    %dma_wait3A_72 = arith.constant 0 : i32
    %dma_wait3A_73 = tpu.memref_slice %arg3[%dma_wait3A_71, %dma_wait3A_72] : memref<1000000x64xbf16, #tpu.memory_space<hbm>> -> memref<1000000x64xbf16, #tpu.memory_space<hbm>>
    tpu.wait_indirect_dma semaphore(%arg20 : memref<!tpu.dma_semaphore, #tpu.memory_space<semaphore_mem>>) src(%dma_wait3A_73 : memref<1000000x64xbf16, #tpu.memory_space<hbm>>) dst(%arg9 : memref<128x64xbf16, #tpu.memory_space<vmem>>)
    %dma_wait3A_74 = arith.constant 193 : i32
    %dma_wait3A_75 = arith.constant 0 : i32
    %dma_wait3A_76 = tpu.memref_slice %arg7[%dma_wait3A_74, %dma_wait3A_75] : memref<200x128xi32, #tpu.memory_space<vmem>> -> memref<1x128xi32, #tpu.memory_space<vmem>>
    %dma_wait3A_77 = tpu.memref_squeeze %dma_wait3A_76 : memref<1x128xi32, #tpu.memory_space<vmem>> -> memref<128xi32, #tpu.memory_space<vmem>>
    %dma_wait3A_78 = arith.constant 0 : i32
    %dma_wait3A_79 = arith.constant 0 : i32
    %dma_wait3A_80 = tpu.memref_slice %arg3[%dma_wait3A_78, %dma_wait3A_79] : memref<1000000x64xbf16, #tpu.memory_space<hbm>> -> memref<1000000x64xbf16, #tpu.memory_space<hbm>>
    tpu.wait_indirect_dma semaphore(%arg20 : memref<!tpu.dma_semaphore, #tpu.memory_space<semaphore_mem>>) src(%dma_wait3A_80 : memref<1000000x64xbf16, #tpu.memory_space<hbm>>) dst(%arg10 : memref<128x64xbf16, #tpu.memory_space<vmem>>)
    %dma_wait3A_81 = arith.constant 194 : i32
    %dma_wait3A_82 = arith.constant 0 : i32
    %dma_wait3A_83 = tpu.memref_slice %arg7[%dma_wait3A_81, %dma_wait3A_82] : memref<200x128xi32, #tpu.memory_space<vmem>> -> memref<1x128xi32, #tpu.memory_space<vmem>>
    %dma_wait3A_84 = tpu.memref_squeeze %dma_wait3A_83 : memref<1x128xi32, #tpu.memory_space<vmem>> -> memref<128xi32, #tpu.memory_space<vmem>>
    %dma_wait3A_85 = arith.constant 0 : i32
    %dma_wait3A_86 = arith.constant 0 : i32
    %dma_wait3A_87 = tpu.memref_slice %arg3[%dma_wait3A_85, %dma_wait3A_86] : memref<1000000x64xbf16, #tpu.memory_space<hbm>> -> memref<1000000x64xbf16, #tpu.memory_space<hbm>>
    tpu.wait_indirect_dma semaphore(%arg20 : memref<!tpu.dma_semaphore, #tpu.memory_space<semaphore_mem>>) src(%dma_wait3A_87 : memref<1000000x64xbf16, #tpu.memory_space<hbm>>) dst(%arg11 : memref<128x64xbf16, #tpu.memory_space<vmem>>)
    %dma_wait3A_88 = arith.constant 195 : i32
    %dma_wait3A_89 = arith.constant 0 : i32
    %dma_wait3A_90 = tpu.memref_slice %arg7[%dma_wait3A_88, %dma_wait3A_89] : memref<200x128xi32, #tpu.memory_space<vmem>> -> memref<1x128xi32, #tpu.memory_space<vmem>>
    %dma_wait3A_91 = tpu.memref_squeeze %dma_wait3A_90 : memref<1x128xi32, #tpu.memory_space<vmem>> -> memref<128xi32, #tpu.memory_space<vmem>>
    %dma_wait3A_92 = arith.constant 0 : i32
    %dma_wait3A_93 = arith.constant 0 : i32
    %dma_wait3A_94 = tpu.memref_slice %arg3[%dma_wait3A_92, %dma_wait3A_93] : memref<1000000x64xbf16, #tpu.memory_space<hbm>> -> memref<1000000x64xbf16, #tpu.memory_space<hbm>>
    tpu.wait_indirect_dma semaphore(%arg20 : memref<!tpu.dma_semaphore, #tpu.memory_space<semaphore_mem>>) src(%dma_wait3A_94 : memref<1000000x64xbf16, #tpu.memory_space<hbm>>) dst(%arg12 : memref<128x64xbf16, #tpu.memory_space<vmem>>)
    %scan3A_95 = arith.constant 0 : i32
    %scan3A_96 = arith.constant 128 : i32
    %scan3A_97 = arith.addi %scan3A_95, %scan3A_96 : i32
    %scan3A_98 = arith.constant 1 : i32
    scf.for %scan3A_149 = %scan3A_95 to %scan3A_97 step %scan3A_98  : i32 {
      %mul3A_150 = arith.constant 1 : i32
      %mul3A_151 = arith.muli %scan3A_149, %mul3A_150 : i32
      %add3A_152 = arith.constant 0 : i32
      %add3A_153 = arith.addi %add3A_152, %mul3A_151 : i32
      %get3A_154 = arith.index_cast %add3A_153 : i32 to index
      %get3A_155 = arith.constant 0 : index
      %get3A_156 = tpu.vector_load %arg9[%get3A_154, %get3A_155] {strides = array<i32>} : memref<128x64xbf16, #tpu.memory_space<vmem>>, vector<32xbf16>,
      %unpack3A = tpu.unpack_subelements %get3A_156, 0 {pack_format = #tpu.pack_format<interleaved>} : vector<32xbf16> -> vector<16xf32>
      %unpack3A_157 = tpu.unpack_subelements %get3A_156, 1 {pack_format = #tpu.pack_format<interleaved>} : vector<32xbf16> -> vector<16xf32>
      %add3A_158 = arith.addf %broadcast_in_dim3A_3, %unpack3A : vector<16xf32>
      %add3A_159 = arith.addf %broadcast_in_dim3A_3, %unpack3A_157 : vector<16xf32>
      %get3A_160 = arith.index_cast %add3A_153 : i32 to index
      %get3A_161 = arith.constant 0 : index
      %get3A_162 = tpu.vector_load %arg10[%get3A_160, %get3A_161] {strides = array<i32>} : memref<128x64xbf16, #tpu.memory_space<vmem>>, vector<32xbf16>,
      %unpack3A_163 = tpu.unpack_subelements %get3A_162, 0 {pack_format = #tpu.pack_format<interleaved>} : vector<32xbf16> -> vector<16xf32>
      %unpack3A_164 = tpu.unpack_subelements %get3A_162, 1 {pack_format = #tpu.pack_format<interleaved>} : vector<32xbf16> -> vector<16xf32>
      %add3A_165 = arith.addf %add3A_158, %unpack3A_163 : vector<16xf32>
      %add3A_166 = arith.addf %add3A_159, %unpack3A_164 : vector<16xf32>
      %get3A_167 = arith.index_cast %add3A_153 : i32 to index
      %get3A_168 = arith.constant 0 : index
      %get3A_169 = tpu.vector_load %arg11[%get3A_167, %get3A_168] {strides = array<i32>} : memref<128x64xbf16, #tpu.memory_space<vmem>>, vector<32xbf16>,
      %unpack3A_170 = tpu.unpack_subelements %get3A_169, 0 {pack_format = #tpu.pack_format<interleaved>} : vector<32xbf16> -> vector<16xf32>
      %unpack3A_171 = tpu.unpack_subelements %get3A_169, 1 {pack_format = #tpu.pack_format<interleaved>} : vector<32xbf16> -> vector<16xf32>
      %add3A_172 = arith.addf %add3A_165, %unpack3A_170 : vector<16xf32>
      %add3A_173 = arith.addf %add3A_166, %unpack3A_171 : vector<16xf32>
      %get3A_174 = arith.index_cast %add3A_153 : i32 to index
      %get3A_175 = arith.constant 0 : index
      %get3A_176 = tpu.vector_load %arg12[%get3A_174, %get3A_175] {strides = array<i32>} : memref<128x64xbf16, #tpu.memory_space<vmem>>, vector<32xbf16>,
      %unpack3A_177 = tpu.unpack_subelements %get3A_176, 0 {pack_format = #tpu.pack_format<interleaved>} : vector<32xbf16> -> vector<16xf32>
      %unpack3A_178 = tpu.unpack_subelements %get3A_176, 1 {pack_format = #tpu.pack_format<interleaved>} : vector<32xbf16> -> vector<16xf32>
      %add3A_179 = arith.addf %add3A_172, %unpack3A_177 : vector<16xf32>
      %add3A_180 = arith.addf %add3A_173, %unpack3A_178 : vector<16xf32>
      %mul3A_181 = arith.constant 64 : i32
      %mul3A_182 = arith.muli %add3A_153, %mul3A_181 : i32
      %add3A_183 = arith.constant 0 : i32
      %add3A_184 = arith.addi %mul3A_182, %add3A_183 : i32
      %mul3A_185 = arith.constant 64 : i32
      %mul3A_186 = arith.muli %add3A_153, %mul3A_185 : i32
      %add3A_187 = arith.constant 0 : i32
      %add3A_188 = arith.addi %mul3A_186, %add3A_187 : i32
      %add3A_189 = arith.constant 16 : i32
      %add3A_190 = arith.addi %add3A_188, %add3A_189 : i32
      %get3A_191 = arith.index_cast %add3A_184 : i32 to index
      %get3A_192 = tpu.vector_load %arg8[%get3A_191] {strides = array<i32>} : memref<8192xf32, #tpu.memory_space<vmem>>, vector<16xf32>,
      %add3A_193 = arith.addf %get3A_192, %add3A_179 : vector<16xf32>
      %swap3A = arith.index_cast %add3A_184 : i32 to index
      %swap3A_194 = tpu.vector_load %arg8[%swap3A] {strides = array<i32>} : memref<8192xf32, #tpu.memory_space<vmem>>, vector<16xf32>,
      tpu.vector_store %arg8[%swap3A], %add3A_193 {strides = array<i32>} : memref<8192xf32, #tpu.memory_space<vmem>>, vector<16xf32>,
      %get3A_195 = arith.index_cast %add3A_190 : i32 to index
      %get3A_196 = tpu.vector_load %arg8[%get3A_195] {strides = array<i32>} : memref<8192xf32, #tpu.memory_space<vmem>>, vector<16xf32>,
      %add3A_197 = arith.addf %get3A_196, %add3A_180 : vector<16xf32>
      %swap3A_198 = arith.index_cast %add3A_190 : i32 to index
      %swap3A_199 = tpu.vector_load %arg8[%swap3A_198] {strides = array<i32>} : memref<8192xf32, #tpu.memory_space<vmem>>, vector<16xf32>,
      tpu.vector_store %arg8[%swap3A_198], %add3A_197 {strides = array<i32>} : memref<8192xf32, #tpu.memory_space<vmem>>, vector<16xf32>,
      %get3A_200 = arith.index_cast %add3A_153 : i32 to index
      %get3A_201 = arith.constant 32 : index
      %get3A_202 = tpu.vector_load %arg9[%get3A_200, %get3A_201] {strides = array<i32>} : memref<128x64xbf16, #tpu.memory_space<vmem>>, vector<32xbf16>,
      %unpack3A_203 = tpu.unpack_subelements %get3A_202, 0 {pack_format = #tpu.pack_format<interleaved>} : vector<32xbf16> -> vector<16xf32>
      %unpack3A_204 = tpu.unpack_subelements %get3A_202, 1 {pack_format = #tpu.pack_format<interleaved>} : vector<32xbf16> -> vector<16xf32>
      %add3A_205 = arith.addf %broadcast_in_dim3A_3, %unpack3A_203 : vector<16xf32>
      %add3A_206 = arith.addf %broadcast_in_dim3A_3, %unpack3A_204 : vector<16xf32>
      %get3A_207 = arith.index_cast %add3A_153 : i32 to index
      %get3A_208 = arith.constant 32 : index
      %get3A_209 = tpu.vector_load %arg10[%get3A_207, %get3A_208] {strides = array<i32>} : memref<128x64xbf16, #tpu.memory_space<vmem>>, vector<32xbf16>,
      %unpack3A_210 = tpu.unpack_subelements %get3A_209, 0 {pack_format = #tpu.pack_format<interleaved>} : vector<32xbf16> -> vector<16xf32>
      %unpack3A_211 = tpu.unpack_subelements %get3A_209, 1 {pack_format = #tpu.pack_format<interleaved>} : vector<32xbf16> -> vector<16xf32>
      %add3A_212 = arith.addf %add3A_205, %unpack3A_210 : vector<16xf32>
      %add3A_213 = arith.addf %add3A_206, %unpack3A_211 : vector<16xf32>
      %get3A_214 = arith.index_cast %add3A_153 : i32 to index
      %get3A_215 = arith.constant 32 : index
      %get3A_216 = tpu.vector_load %arg11[%get3A_214, %get3A_215] {strides = array<i32>} : memref<128x64xbf16, #tpu.memory_space<vmem>>, vector<32xbf16>,
      %unpack3A_217 = tpu.unpack_subelements %get3A_216, 0 {pack_format = #tpu.pack_format<interleaved>} : vector<32xbf16> -> vector<16xf32>
      %unpack3A_218 = tpu.unpack_subelements %get3A_216, 1 {pack_format = #tpu.pack_format<interleaved>} : vector<32xbf16> -> vector<16xf32>
      %add3A_219 = arith.addf %add3A_212, %unpack3A_217 : vector<16xf32>
      %add3A_220 = arith.addf %add3A_213, %unpack3A_218 : vector<16xf32>
      %get3A_221 = arith.index_cast %add3A_153 : i32 to index
      %get3A_222 = arith.constant 32 : index
      %get3A_223 = tpu.vector_load %arg12[%get3A_221, %get3A_222] {strides = array<i32>} : memref<128x64xbf16, #tpu.memory_space<vmem>>, vector<32xbf16>,
      %unpack3A_224 = tpu.unpack_subelements %get3A_223, 0 {pack_format = #tpu.pack_format<interleaved>} : vector<32xbf16> -> vector<16xf32>
      %unpack3A_225 = tpu.unpack_subelements %get3A_223, 1 {pack_format = #tpu.pack_format<interleaved>} : vector<32xbf16> -> vector<16xf32>
      %add3A_226 = arith.addf %add3A_219, %unpack3A_224 : vector<16xf32>
      %add3A_227 = arith.addf %add3A_220, %unpack3A_225 : vector<16xf32>
      %mul3A_228 = arith.constant 64 : i32
      %mul3A_229 = arith.muli %add3A_153, %mul3A_228 : i32
      %add3A_230 = arith.constant 32 : i32
      %add3A_231 = arith.addi %mul3A_229, %add3A_230 : i32
      %mul3A_232 = arith.constant 64 : i32
      %mul3A_233 = arith.muli %add3A_153, %mul3A_232 : i32
      %add3A_234 = arith.constant 32 : i32
      %add3A_235 = arith.addi %mul3A_233, %add3A_234 : i32
      %add3A_236 = arith.constant 16 : i32
      %add3A_237 = arith.addi %add3A_235, %add3A_236 : i32
      %get3A_238 = arith.index_cast %add3A_231 : i32 to index
      %get3A_239 = tpu.vector_load %arg8[%get3A_238] {strides = array<i32>} : memref<8192xf32, #tpu.memory_space<vmem>>, vector<16xf32>,
      %add3A_240 = arith.addf %get3A_239, %add3A_226 : vector<16xf32>
      %swap3A_241 = arith.index_cast %add3A_231 : i32 to index
      %swap3A_242 = tpu.vector_load %arg8[%swap3A_241] {strides = array<i32>} : memref<8192xf32, #tpu.memory_space<vmem>>, vector<16xf32>,
      tpu.vector_store %arg8[%swap3A_241], %add3A_240 {strides = array<i32>} : memref<8192xf32, #tpu.memory_space<vmem>>, vector<16xf32>,
      %get3A_243 = arith.index_cast %add3A_237 : i32 to index
      %get3A_244 = tpu.vector_load %arg8[%get3A_243] {strides = array<i32>} : memref<8192xf32, #tpu.memory_space<vmem>>, vector<16xf32>,
      %add3A_245 = arith.addf %get3A_244, %add3A_227 : vector<16xf32>
      %swap3A_246 = arith.index_cast %add3A_237 : i32 to index
      %swap3A_247 = tpu.vector_load %arg8[%swap3A_246] {strides = array<i32>} : memref<8192xf32, #tpu.memory_space<vmem>>, vector<16xf32>,
      tpu.vector_store %arg8[%swap3A_246], %add3A_245 {strides = array<i32>} : memref<8192xf32, #tpu.memory_space<vmem>>, vector<16xf32>,
    }
    %scan3A_99 = arith.constant 128 : i32
    %dma_wait3A_100 = arith.constant 196 : i32
    %dma_wait3A_101 = arith.constant 0 : i32
    %dma_wait3A_102 = tpu.memref_slice %arg7[%dma_wait3A_100, %dma_wait3A_101] : memref<200x128xi32, #tpu.memory_space<vmem>> -> memref<1x128xi32, #tpu.memory_space<vmem>>
    %dma_wait3A_103 = tpu.memref_squeeze %dma_wait3A_102 : memref<1x128xi32, #tpu.memory_space<vmem>> -> memref<128xi32, #tpu.memory_space<vmem>>
    %dma_wait3A_104 = arith.constant 0 : i32
    %dma_wait3A_105 = arith.constant 0 : i32
    %dma_wait3A_106 = tpu.memref_slice %arg3[%dma_wait3A_104, %dma_wait3A_105] : memref<1000000x64xbf16, #tpu.memory_space<hbm>> -> memref<1000000x64xbf16, #tpu.memory_space<hbm>>
    tpu.wait_indirect_dma semaphore(%arg21 : memref<!tpu.dma_semaphore, #tpu.memory_space<semaphore_mem>>) src(%dma_wait3A_106 : memref<1000000x64xbf16, #tpu.memory_space<hbm>>) dst(%arg13 : memref<128x64xbf16, #tpu.memory_space<vmem>>)
    %dma_wait3A_107 = arith.constant 197 : i32
    %dma_wait3A_108 = arith.constant 0 : i32
    %dma_wait3A_109 = tpu.memref_slice %arg7[%dma_wait3A_107, %dma_wait3A_108] : memref<200x128xi32, #tpu.memory_space<vmem>> -> memref<1x128xi32, #tpu.memory_space<vmem>>
    %dma_wait3A_110 = tpu.memref_squeeze %dma_wait3A_109 : memref<1x128xi32, #tpu.memory_space<vmem>> -> memref<128xi32, #tpu.memory_space<vmem>>
    %dma_wait3A_111 = arith.constant 0 : i32
    %dma_wait3A_112 = arith.constant 0 : i32
    %dma_wait3A_113 = tpu.memref_slice %arg3[%dma_wait3A_111, %dma_wait3A_112] : memref<1000000x64xbf16, #tpu.memory_space<hbm>> -> memref<1000000x64xbf16, #tpu.memory_space<hbm>>
    tpu.wait_indirect_dma semaphore(%arg21 : memref<!tpu.dma_semaphore, #tpu.memory_space<semaphore_mem>>) src(%dma_wait3A_113 : memref<1000000x64xbf16, #tpu.memory_space<hbm>>) dst(%arg14 : memref<128x64xbf16, #tpu.memory_space<vmem>>)
    %dma_wait3A_114 = arith.constant 198 : i32
    %dma_wait3A_115 = arith.constant 0 : i32
    %dma_wait3A_116 = tpu.memref_slice %arg7[%dma_wait3A_114, %dma_wait3A_115] : memref<200x128xi32, #tpu.memory_space<vmem>> -> memref<1x128xi32, #tpu.memory_space<vmem>>
    %dma_wait3A_117 = tpu.memref_squeeze %dma_wait3A_116 : memref<1x128xi32, #tpu.memory_space<vmem>> -> memref<128xi32, #tpu.memory_space<vmem>>
    %dma_wait3A_118 = arith.constant 0 : i32
    %dma_wait3A_119 = arith.constant 0 : i32
    %dma_wait3A_120 = tpu.memref_slice %arg3[%dma_wait3A_118, %dma_wait3A_119] : memref<1000000x64xbf16, #tpu.memory_space<hbm>> -> memref<1000000x64xbf16, #tpu.memory_space<hbm>>
    tpu.wait_indirect_dma semaphore(%arg21 : memref<!tpu.dma_semaphore, #tpu.memory_space<semaphore_mem>>) src(%dma_wait3A_120 : memref<1000000x64xbf16, #tpu.memory_space<hbm>>) dst(%arg15 : memref<128x64xbf16, #tpu.memory_space<vmem>>)
    %dma_wait3A_121 = arith.constant 199 : i32
    %dma_wait3A_122 = arith.constant 0 : i32
    %dma_wait3A_123 = tpu.memref_slice %arg7[%dma_wait3A_121, %dma_wait3A_122] : memref<200x128xi32, #tpu.memory_space<vmem>> -> memref<1x128xi32, #tpu.memory_space<vmem>>
    %dma_wait3A_124 = tpu.memref_squeeze %dma_wait3A_123 : memref<1x128xi32, #tpu.memory_space<vmem>> -> memref<128xi32, #tpu.memory_space<vmem>>
    %dma_wait3A_125 = arith.constant 0 : i32
    %dma_wait3A_126 = arith.constant 0 : i32
    %dma_wait3A_127 = tpu.memref_slice %arg3[%dma_wait3A_125, %dma_wait3A_126] : memref<1000000x64xbf16, #tpu.memory_space<hbm>> -> memref<1000000x64xbf16, #tpu.memory_space<hbm>>
    tpu.wait_indirect_dma semaphore(%arg21 : memref<!tpu.dma_semaphore, #tpu.memory_space<semaphore_mem>>) src(%dma_wait3A_127 : memref<1000000x64xbf16, #tpu.memory_space<hbm>>) dst(%arg16 : memref<128x64xbf16, #tpu.memory_space<vmem>>)
    %scan3A_128 = arith.constant 0 : i32
    %scan3A_129 = arith.constant 128 : i32
    %scan3A_130 = arith.addi %scan3A_128, %scan3A_129 : i32
    %scan3A_131 = arith.constant 1 : i32
    scf.for %scan3A_149 = %scan3A_128 to %scan3A_130 step %scan3A_131  : i32 {
      %mul3A_150 = arith.constant 1 : i32
      %mul3A_151 = arith.muli %scan3A_149, %mul3A_150 : i32
      %add3A_152 = arith.constant 0 : i32
      %add3A_153 = arith.addi %add3A_152, %mul3A_151 : i32
      %get3A_154 = arith.index_cast %add3A_153 : i32 to index
      %get3A_155 = arith.constant 0 : index
      %get3A_156 = tpu.vector_load %arg13[%get3A_154, %get3A_155] {strides = array<i32>} : memref<128x64xbf16, #tpu.memory_space<vmem>>, vector<32xbf16>,
      %unpack3A = tpu.unpack_subelements %get3A_156, 0 {pack_format = #tpu.pack_format<interleaved>} : vector<32xbf16> -> vector<16xf32>
      %unpack3A_157 = tpu.unpack_subelements %get3A_156, 1 {pack_format = #tpu.pack_format<interleaved>} : vector<32xbf16> -> vector<16xf32>
      %add3A_158 = arith.addf %broadcast_in_dim3A_3, %unpack3A : vector<16xf32>
      %add3A_159 = arith.addf %broadcast_in_dim3A_3, %unpack3A_157 : vector<16xf32>
      %get3A_160 = arith.index_cast %add3A_153 : i32 to index
      %get3A_161 = arith.constant 0 : index
      %get3A_162 = tpu.vector_load %arg14[%get3A_160, %get3A_161] {strides = array<i32>} : memref<128x64xbf16, #tpu.memory_space<vmem>>, vector<32xbf16>,
      %unpack3A_163 = tpu.unpack_subelements %get3A_162, 0 {pack_format = #tpu.pack_format<interleaved>} : vector<32xbf16> -> vector<16xf32>
      %unpack3A_164 = tpu.unpack_subelements %get3A_162, 1 {pack_format = #tpu.pack_format<interleaved>} : vector<32xbf16> -> vector<16xf32>
      %add3A_165 = arith.addf %add3A_158, %unpack3A_163 : vector<16xf32>
      %add3A_166 = arith.addf %add3A_159, %unpack3A_164 : vector<16xf32>
      %get3A_167 = arith.index_cast %add3A_153 : i32 to index
      %get3A_168 = arith.constant 0 : index
      %get3A_169 = tpu.vector_load %arg15[%get3A_167, %get3A_168] {strides = array<i32>} : memref<128x64xbf16, #tpu.memory_space<vmem>>, vector<32xbf16>,
      %unpack3A_170 = tpu.unpack_subelements %get3A_169, 0 {pack_format = #tpu.pack_format<interleaved>} : vector<32xbf16> -> vector<16xf32>
      %unpack3A_171 = tpu.unpack_subelements %get3A_169, 1 {pack_format = #tpu.pack_format<interleaved>} : vector<32xbf16> -> vector<16xf32>
      %add3A_172 = arith.addf %add3A_165, %unpack3A_170 : vector<16xf32>
      %add3A_173 = arith.addf %add3A_166, %unpack3A_171 : vector<16xf32>
      %get3A_174 = arith.index_cast %add3A_153 : i32 to index
      %get3A_175 = arith.constant 0 : index
      %get3A_176 = tpu.vector_load %arg16[%get3A_174, %get3A_175] {strides = array<i32>} : memref<128x64xbf16, #tpu.memory_space<vmem>>, vector<32xbf16>,
      %unpack3A_177 = tpu.unpack_subelements %get3A_176, 0 {pack_format = #tpu.pack_format<interleaved>} : vector<32xbf16> -> vector<16xf32>
      %unpack3A_178 = tpu.unpack_subelements %get3A_176, 1 {pack_format = #tpu.pack_format<interleaved>} : vector<32xbf16> -> vector<16xf32>
      %add3A_179 = arith.addf %add3A_172, %unpack3A_177 : vector<16xf32>
      %add3A_180 = arith.addf %add3A_173, %unpack3A_178 : vector<16xf32>
      %mul3A_181 = arith.constant 64 : i32
      %mul3A_182 = arith.muli %add3A_153, %mul3A_181 : i32
      %add3A_183 = arith.constant 0 : i32
      %add3A_184 = arith.addi %mul3A_182, %add3A_183 : i32
      %mul3A_185 = arith.constant 64 : i32
      %mul3A_186 = arith.muli %add3A_153, %mul3A_185 : i32
      %add3A_187 = arith.constant 0 : i32
      %add3A_188 = arith.addi %mul3A_186, %add3A_187 : i32
      %add3A_189 = arith.constant 16 : i32
      %add3A_190 = arith.addi %add3A_188, %add3A_189 : i32
      %get3A_191 = arith.index_cast %add3A_184 : i32 to index
      %get3A_192 = tpu.vector_load %arg8[%get3A_191] {strides = array<i32>} : memref<8192xf32, #tpu.memory_space<vmem>>, vector<16xf32>,
      %add3A_193 = arith.addf %get3A_192, %add3A_179 : vector<16xf32>
      %swap3A = arith.index_cast %add3A_184 : i32 to index
      %swap3A_194 = tpu.vector_load %arg8[%swap3A] {strides = array<i32>} : memref<8192xf32, #tpu.memory_space<vmem>>, vector<16xf32>,
      tpu.vector_store %arg8[%swap3A], %add3A_193 {strides = array<i32>} : memref<8192xf32, #tpu.memory_space<vmem>>, vector<16xf32>,
      %get3A_195 = arith.index_cast %add3A_190 : i32 to index
      %get3A_196 = tpu.vector_load %arg8[%get3A_195] {strides = array<i32>} : memref<8192xf32, #tpu.memory_space<vmem>>, vector<16xf32>,
      %add3A_197 = arith.addf %get3A_196, %add3A_180 : vector<16xf32>
      %swap3A_198 = arith.index_cast %add3A_190 : i32 to index
      %swap3A_199 = tpu.vector_load %arg8[%swap3A_198] {strides = array<i32>} : memref<8192xf32, #tpu.memory_space<vmem>>, vector<16xf32>,
      tpu.vector_store %arg8[%swap3A_198], %add3A_197 {strides = array<i32>} : memref<8192xf32, #tpu.memory_space<vmem>>, vector<16xf32>,
      %get3A_200 = arith.index_cast %add3A_153 : i32 to index
      %get3A_201 = arith.constant 32 : index
      %get3A_202 = tpu.vector_load %arg13[%get3A_200, %get3A_201] {strides = array<i32>} : memref<128x64xbf16, #tpu.memory_space<vmem>>, vector<32xbf16>,
      %unpack3A_203 = tpu.unpack_subelements %get3A_202, 0 {pack_format = #tpu.pack_format<interleaved>} : vector<32xbf16> -> vector<16xf32>
      %unpack3A_204 = tpu.unpack_subelements %get3A_202, 1 {pack_format = #tpu.pack_format<interleaved>} : vector<32xbf16> -> vector<16xf32>
      %add3A_205 = arith.addf %broadcast_in_dim3A_3, %unpack3A_203 : vector<16xf32>
      %add3A_206 = arith.addf %broadcast_in_dim3A_3, %unpack3A_204 : vector<16xf32>
      %get3A_207 = arith.index_cast %add3A_153 : i32 to index
      %get3A_208 = arith.constant 32 : index
      %get3A_209 = tpu.vector_load %arg14[%get3A_207, %get3A_208] {strides = array<i32>} : memref<128x64xbf16, #tpu.memory_space<vmem>>, vector<32xbf16>,
      %unpack3A_210 = tpu.unpack_subelements %get3A_209, 0 {pack_format = #tpu.pack_format<interleaved>} : vector<32xbf16> -> vector<16xf32>
      %unpack3A_211 = tpu.unpack_subelements %get3A_209, 1 {pack_format = #tpu.pack_format<interleaved>} : vector<32xbf16> -> vector<16xf32>
      %add3A_212 = arith.addf %add3A_205, %unpack3A_210 : vector<16xf32>
      %add3A_213 = arith.addf %add3A_206, %unpack3A_211 : vector<16xf32>
      %get3A_214 = arith.index_cast %add3A_153 : i32 to index
      %get3A_215 = arith.constant 32 : index
      %get3A_216 = tpu.vector_load %arg15[%get3A_214, %get3A_215] {strides = array<i32>} : memref<128x64xbf16, #tpu.memory_space<vmem>>, vector<32xbf16>,
      %unpack3A_217 = tpu.unpack_subelements %get3A_216, 0 {pack_format = #tpu.pack_format<interleaved>} : vector<32xbf16> -> vector<16xf32>
      %unpack3A_218 = tpu.unpack_subelements %get3A_216, 1 {pack_format = #tpu.pack_format<interleaved>} : vector<32xbf16> -> vector<16xf32>
      %add3A_219 = arith.addf %add3A_212, %unpack3A_217 : vector<16xf32>
      %add3A_220 = arith.addf %add3A_213, %unpack3A_218 : vector<16xf32>
      %get3A_221 = arith.index_cast %add3A_153 : i32 to index
      %get3A_222 = arith.constant 32 : index
      %get3A_223 = tpu.vector_load %arg16[%get3A_221, %get3A_222] {strides = array<i32>} : memref<128x64xbf16, #tpu.memory_space<vmem>>, vector<32xbf16>,
      %unpack3A_224 = tpu.unpack_subelements %get3A_223, 0 {pack_format = #tpu.pack_format<interleaved>} : vector<32xbf16> -> vector<16xf32>
      %unpack3A_225 = tpu.unpack_subelements %get3A_223, 1 {pack_format = #tpu.pack_format<interleaved>} : vector<32xbf16> -> vector<16xf32>
      %add3A_226 = arith.addf %add3A_219, %unpack3A_224 : vector<16xf32>
      %add3A_227 = arith.addf %add3A_220, %unpack3A_225 : vector<16xf32>
      %mul3A_228 = arith.constant 64 : i32
      %mul3A_229 = arith.muli %add3A_153, %mul3A_228 : i32
      %add3A_230 = arith.constant 32 : i32
      %add3A_231 = arith.addi %mul3A_229, %add3A_230 : i32
      %mul3A_232 = arith.constant 64 : i32
      %mul3A_233 = arith.muli %add3A_153, %mul3A_232 : i32
      %add3A_234 = arith.constant 32 : i32
      %add3A_235 = arith.addi %mul3A_233, %add3A_234 : i32
      %add3A_236 = arith.constant 16 : i32
      %add3A_237 = arith.addi %add3A_235, %add3A_236 : i32
      %get3A_238 = arith.index_cast %add3A_231 : i32 to index
      %get3A_239 = tpu.vector_load %arg8[%get3A_238] {strides = array<i32>} : memref<8192xf32, #tpu.memory_space<vmem>>, vector<16xf32>,
      %add3A_240 = arith.addf %get3A_239, %add3A_226 : vector<16xf32>
      %swap3A_241 = arith.index_cast %add3A_231 : i32 to index
      %swap3A_242 = tpu.vector_load %arg8[%swap3A_241] {strides = array<i32>} : memref<8192xf32, #tpu.memory_space<vmem>>, vector<16xf32>,
      tpu.vector_store %arg8[%swap3A_241], %add3A_240 {strides = array<i32>} : memref<8192xf32, #tpu.memory_space<vmem>>, vector<16xf32>,
      %get3A_243 = arith.index_cast %add3A_237 : i32 to index
      %get3A_244 = tpu.vector_load %arg8[%get3A_243] {strides = array<i32>} : memref<8192xf32, #tpu.memory_space<vmem>>, vector<16xf32>,
      %add3A_245 = arith.addf %get3A_244, %add3A_227 : vector<16xf32>
      %swap3A_246 = arith.index_cast %add3A_237 : i32 to index
      %swap3A_247 = tpu.vector_load %arg8[%swap3A_246] {strides = array<i32>} : memref<8192xf32, #tpu.memory_space<vmem>>, vector<16xf32>,
      tpu.vector_store %arg8[%swap3A_246], %add3A_245 {strides = array<i32>} : memref<8192xf32, #tpu.memory_space<vmem>>, vector<16xf32>,
    }
    %scan3A_132 = arith.constant 128 : i32
    %get3A = arith.constant 0 : i32
    %get3A_133 = arith.index_cast %get3A : i32 to index
    %get3A_134 = arith.constant 0 : index
    %get3A_135 = tpu.vector_load %arg19[%get3A_133, %get3A_134] {strides = array<i32>} : memref<2x16xf32, #tpu.memory_space<vmem>>, vector<16xf32>,
    %get3A_136 = arith.constant 1 : i32
    %get3A_137 = arith.index_cast %get3A_136 : i32 to index
    %get3A_138 = arith.constant 0 : index
    %get3A_139 = tpu.vector_load %arg19[%get3A_137, %get3A_138] {strides = array<i32>} : memref<2x16xf32, #tpu.memory_space<vmem>>, vector<16xf32>,
    %scan3A_140 = arith.constant 0 : i32
    %scan3A_141 = arith.constant 8 : i32
    %scan3A_142 = arith.addi %scan3A_140, %scan3A_141 : i32
    %scan3A_143 = arith.constant 1 : i32
    scf.for %scan3A_149 = %scan3A_140 to %scan3A_142 step %scan3A_143  : i32 {
      %mul3A_150 = arith.constant 1 : i32
      %mul3A_151 = arith.muli %scan3A_149, %mul3A_150 : i32
      %add3A_152 = arith.constant 0 : i32
      %add3A_153 = arith.addi %add3A_152, %mul3A_151 : i32
      %mul3A_154 = arith.constant 16 : i32
      %mul3A_155 = arith.muli %add3A_153, %mul3A_154 : i32
      %iota3A = tpu.iota {dimensions = array<i32: 0>} : vector<16xi32>
      %add3A_156 = vector.broadcast %mul3A_155 : i32 to vector<16xi32>
      %add3A_157 = arith.addi %add3A_156, %iota3A : vector<16xi32>
      %scan3A_158 = arith.constant 0 : i32
      %scan3A_159 = arith.constant 64 : i32
      %scan3A_160 = arith.addi %scan3A_158, %scan3A_159 : i32
      %scan3A_161 = arith.constant 1 : i32
      %scan3A_162:2 = scf.for %scan3A_181 = %scan3A_158 to %scan3A_160 step %scan3A_161 iter_args(%scan3A_182 = %broadcast_in_dim3A_3, %scan3A_183 = %broadcast_in_dim3A_3) -> (vector<16xf32>, vector<16xf32>)  : i32 {
        %mul3A_184 = arith.constant 64 : i32
        %mul3A_185 = vector.broadcast %mul3A_184 : i32 to vector<16xi32>
        %mul3A_186 = arith.muli %add3A_157, %mul3A_185 : vector<16xi32>
        %add3A_187 = vector.broadcast %scan3A_181 : i32 to vector<16xi32>
        %add3A_188 = arith.addi %mul3A_186, %add3A_187 : vector<16xi32>
        %gather3A = tpu.vector_load_idx %arg8[%add3A_188] : memref<8192xf32, #tpu.memory_space<vmem>>[vector<16xi32>], vector<16xf32>,
        %get3A_189 = arith.constant 0 : i32
        %get3A_190 = arith.index_cast %get3A_189 : i32 to index
        %get3A_191 = arith.index_cast %scan3A_181 : i32 to index
        %get3A_192 = arith.constant 0 : index
        %get3A_193 = tpu.vector_load %arg18[%get3A_190, %get3A_191, %get3A_192] {strides = array<i32>} : memref<2x64x16xf32, #tpu.memory_space<vmem>>, vector<16xf32>,
        %mul3A_194 = arith.mulf %gather3A, %get3A_193 : vector<16xf32>
        %add3A_195 = arith.addf %scan3A_182, %mul3A_194 : vector<16xf32>
        %get3A_196 = arith.constant 1 : i32
        %get3A_197 = arith.index_cast %get3A_196 : i32 to index
        %get3A_198 = arith.index_cast %scan3A_181 : i32 to index
        %get3A_199 = arith.constant 0 : index
        %get3A_200 = tpu.vector_load %arg18[%get3A_197, %get3A_198, %get3A_199] {strides = array<i32>} : memref<2x64x16xf32, #tpu.memory_space<vmem>>, vector<16xf32>,
        %mul3A_201 = arith.mulf %gather3A, %get3A_200 : vector<16xf32>
        %add3A_202 = arith.addf %scan3A_183, %mul3A_201 : vector<16xf32>
        scf.yield %add3A_195, %add3A_202 : vector<16xf32>, vector<16xf32>
      }
      %scan3A_163 = arith.constant 64 : i32
      %add3A_164 = arith.addf %scan3A_162#0, %get3A_135 : vector<16xf32>
      %add3A_165 = arith.addf %scan3A_162#1, %get3A_139 : vector<16xf32>
      %max3A = arith.maximumf %add3A_164, %add3A_165 : vector<16xf32>
      %sub3A = arith.subf %add3A_164, %max3A : vector<16xf32>
      %exp3A = math.exp %sub3A : vector<16xf32>
      %sub3A_166 = arith.subf %add3A_165, %max3A : vector<16xf32>
      %exp3A_167 = math.exp %sub3A_166 : vector<16xf32>
      %add3A_168 = arith.addf %exp3A, %exp3A_167 : vector<16xf32>
      %mul3A_169 = arith.constant 16 : i32
      %mul3A_170 = arith.muli %add3A_153, %mul3A_169 : i32
      %iota3A_171 = tpu.iota {dimensions = array<i32: 0>} : vector<16xi32>
      %add3A_172 = vector.broadcast %mul3A_170 : i32 to vector<16xi32>
      %add3A_173 = arith.addi %add3A_172, %iota3A_171 : vector<16xi32>
      %mul3A_174 = arith.constant 2 : i32
      %mul3A_175 = vector.broadcast %mul3A_174 : i32 to vector<16xi32>
      %mul3A_176 = arith.muli %add3A_173, %mul3A_175 : vector<16xi32>
      %div3A = arith.divf %exp3A, %add3A_168 : vector<16xf32>
      tpu.vector_store_idx %arg17[%mul3A_176], %div3A : memref<256xf32, #tpu.memory_space<vmem>>[vector<16xi32>], vector<16xf32>,
      %add3A_177 = arith.constant 1 : i32
      %add3A_178 = vector.broadcast %add3A_177 : i32 to vector<16xi32>
      %add3A_179 = arith.addi %mul3A_176, %add3A_178 : vector<16xi32>
      %div3A_180 = arith.divf %exp3A_167, %add3A_168 : vector<16xf32>
      tpu.vector_store_idx %arg17[%add3A_179], %div3A_180 : memref<256xf32, #tpu.memory_space<vmem>>[vector<16xi32>], vector<16xf32>,
    }
    %scan3A_144 = arith.constant 8 : i32
    %mul3A_145 = arith.constant 2 : i32
    %mul3A_146 = arith.muli %add3A, %mul3A_145 : i32
    %mul3A_147 = arith.constant 128 : i32
    %mul3A_148 = arith.muli %mul3A_146, %mul3A_147 : i32
    "tpu.region"() ({
      %run_scoped3A = tpu.sem_alloc : memref<!tpu.dma_semaphore, #tpu.memory_space<semaphore_mem>>
      %dma_start3A_149 = tpu.memref_slice %arg6[%mul3A_148] : memref<8192xf32, #tpu.memory_space<hbm>> -> memref<256xf32, #tpu.memory_space<hbm>>
      %dma_start3A_150 = tpu.memref_slice %arg6[%mul3A_148] : memref<8192xf32, #tpu.memory_space<hbm>> -> memref<256xf32, #tpu.memory_space<hbm>>
      tpu.enqueue_dma source(%arg17 : memref<256xf32, #tpu.memory_space<vmem>>) target(%dma_start3A_150 : memref<256xf32, #tpu.memory_space<hbm>>) target_semaphore(%run_scoped3A : memref<!tpu.dma_semaphore, #tpu.memory_space<semaphore_mem>>)
      %dma_wait3A_151 = tpu.memref_slice %arg6[%mul3A_148] : memref<8192xf32, #tpu.memory_space<hbm>> -> memref<256xf32, #tpu.memory_space<hbm>>
      %dma_wait3A_152 = tpu.memref_slice %arg6[%mul3A_148] : memref<8192xf32, #tpu.memory_space<hbm>> -> memref<256xf32, #tpu.memory_space<hbm>>
      tpu.wait_dma2 semaphore(%run_scoped3A : memref<!tpu.dma_semaphore, #tpu.memory_space<semaphore_mem>>) src(%arg17 : memref<256xf32, #tpu.memory_space<vmem>>) dst(%dma_wait3A_152 : memref<256xf32, #tpu.memory_space<hbm>>)
      tpu.yield
    }) : () -> ()
    return
  }
}

</mosaic_0001>

<sc_bundles>
// kernel: kernel.3.cloned.1.call-start
scs
__scs_entry_jumppad:
0x0: {  	(pc) =	sbr.rel $0x88, $3  }
0x1: {  	(tag) =	ssettag $0x0;
	lr =	simm.s32 $0x1  }
0x2: {  	[smem:$0x3F9D] =	sst lr;
	_ =	strace $0xD0000000  }
0x3: {  	_ = 	snop  }
0x4: {  	_ = 	snop  }
0x5: {  	_ = 	snop  }
0x6: {  	_ = 	snop  }
0x7: {  	_ = 	snop  }
__scs_overlays_trampoline_lowered:
0x8: {  	[smem:$0x3FAC] =	sst s0  }
0x9: {  	[smem:$0x3FAD] =	sst s1  }
0xa: {  	[smem:$0x3FAE] =	sst s2  }
0xb: {  	[smem:$0x3FAF] =	sst s3  }
0xc: {  	[smem:$0x3FB0] =	sst s4  }
0xd: {  	[smem:$0x3FB1] =	sst s5  }
0xe: {  	[smem:$0x3FB2] =	sst s6  }
0xf: {  	[smem:$0x3FB3] =	sst s7  }
0x10: {  	[smem:$0x3FB4] =	sst s8  }
0x11: {  	[smem:$0x3FB5] =	sst s9;
	s0 =	simm.s32 @!p0 $0x0  }
0x12: {  	s1 =	sld [smem:$0x3F9B];
	s0 =	simm.s32 @p0 $0x1  }
0x13: {  	[smem:$0x3FB6] =	sst s0;
	s0 =	simm.s32 @!p1 $0x0  }
0x14: {  	s2 =	sld [smem:$0x3F9A];
	s0 =	simm.s32 @p1 $0x1  }
0x15: {  	[smem:$0x3FB7] =	sst s0;
	s0 =	simm.s32 @!p2 $0x0  }
0x16: {  	s3 =	sld [smem:$0x3FDB];
	s0 =	simm.s32 @p2 $0x1  }
0x17: {  	s4 =	simm.s32 $0x1BF5;
	[smem:$0x3FB9] =	sst s0  }
0x18: {  	s0 =	sld [smem:$0x3F9C];
	_ =	swait.ge [sflag:s4], $0x0  }
0x19: {  	s7 =	sld [smem:$0x3F9D]  }
0x1a: {  	s8 =	sadd.s32 $0xFFFFE003, lr  }
0x1b: {  	s9 =	sadd.s32 $0xFFFFFEF7, lr;
	s5 =	simm.s32 $0xFFFFFFFF;
	p2 =	slt.u32 s8, $0xFFFFF086  }
0x1c: {  	p1 =	slt.u32 s9, $0xF7A;
	s5 =	simm.s32 @!p2 $0x0  }
0x1d: {  	s5 =	simm.s32 @p1 $0x1;
	p0 =	seq.s32 s7, s2  }
0x1e: {  	s7 =	smul.u32 @!p0 $0xF7A, s2;
	p2 =	seq.s32 @!p0 s5, $0x0  }
0x1f: {  	s9 =	smul.u32 $0xF7A, s1;
	s8 =	simm.s32 @!p0 $0x1BF5;
	p2 =	por !p2, p0  }
0x20: {  	[sflag:s8] =	ssyncset.s32 @!p0 $0xFFFFF086;
	s6 =	sadd.s32 @!p0 s3, s7;
	s7 =	simm.s32 @!p0 $0x108  }
0x21: {  	s3 =	sadd.s32 s3, s9;
	s6 =	sadd.s32 @!p0 $0x88, s6;
	s7 =	simm.s32 @p2 $0x1082  }
0x22: {  	[simem:s7], [sflag:s8] =	dma.local @!p0 [hbm:s6], $0xF7A  }
0x23: {  	s9 =	sor.u32 $0xD0000000, s2;
	s6 =	simm.s32 $0x108;
	_ =	swait.ge @!p0 [sflag:s8], $0x0  }
0x24: {  	s3 =	sadd.s32 $0x88, s3;
	s6 =	simm.s32 @!p1 $0x1082;
	[sflag:s4] =	ssyncset.s32 $0xFFFFF086  }
0x25: {  	[simem:s6], [sflag:s4] =	dma.local [hbm:s3], $0xF7A  }
0x26: {  	[smem:$0x3F9D] =	sst s1;
	(tag) =	ssettag s2;
	_ =	strace s9  }
0x27: {  	s1 =	sld [smem:$0x3FAD]  }
0x28: {  	s2 =	sld [smem:$0x3FAE]  }
0x29: {  	s4 =	sld [smem:$0x3FB0]  }
0x2a: {  	p0 =	seq.s32 s5, $0x0;
	s5 =	sld [smem:$0x3FB1]  }
0x2b: {  	s6 =	sld [smem:$0x3FB2]  }
0x2c: {  	s7 =	sld [smem:$0x3FB3]  }
0x2d: {  	s3 =	simm.s32 $0x108;
	s8 =	sld [smem:$0x3FB4]  }
0x2e: {  	s3 =	simm.s32 @!p0 $0x1082;
	s9 =	sld [smem:$0x3FB5]  }
0x2f: {  	lr =	sadd.s32 s0, s3;
	s0 =	sld [smem:$0x3FAC]  }
0x30: {  	s3 =	sld [smem:$0x3FAF]  }
0x31: {  	[smem:$0x3FB8] =	sst s10  }
0x32: {  	s10 =	sld [smem:$0x3FB6];
	_ =	sdelay $0x3  }
0x33: {  	p0 =	seq.s32 s10, $0x1;
	s10 =	sld [smem:$0x3FB8];
	_ =	sdelay $0x3  }
0x34: {  	[smem:$0x3FB8] =	sst s10  }
0x35: {  	s10 =	sld [smem:$0x3FB7];
	_ =	sdelay $0x3  }
0x36: {  	p1 =	seq.s32 s10, $0x1;
	s10 =	sld [smem:$0x3FB8];
	_ =	sdelay $0x3  }
0x37: {  	[smem:$0x3FB8] =	sst s10  }
0x38: {  	s10 =	sld [smem:$0x3FB9]  }
0x39: {  	_ = 	snop;
	(pc) =	sbr.ind lr, $3  }
0x3a: {  	_ = 	snop  }
0x3b: {  	_ = 	snop  }
0x3c: {  	p2 =	seq.s32 s10, $0x1;
	s10 =	sld [smem:$0x3FB8]  }
0x3d: {  	_ =	shalt  }
0x3e: {  	_ =	shalt  }
0x3f: {  	_ =	shalt  }
0x40: {  	_ =	shalt  }
0x41: {  	_ =	shalt  }
0x42: {  	_ =	shalt  }
0x43: {  	_ =	shalt  }
0x44: {  	_ =	shalt  }
0x45: {  	_ =	shalt  }
0x46: {  	_ =	shalt  }
0x47: {  	_ =	shalt  }
0x48: {  	_ =	shalt  }
0x49: {  	_ =	shalt  }
0x4a: {  	_ =	shalt  }
0x4b: {  	_ =	shalt  }
0x4c: {  	_ =	shalt  }
0x4d: {  	_ =	shalt  }
0x4e: {  	_ =	shalt  }
0x4f: {  	_ =	shalt  }
0x50: {  	_ =	shalt  }
0x51: {  	_ =	shalt  }
0x52: {  	_ =	shalt  }
0x53: {  	_ =	shalt  }
0x54: {  	_ =	shalt  }
0x55: {  	_ =	shalt  }
0x56: {  	_ =	shalt  }
0x57: {  	_ =	shalt  }
0x58: {  	_ =	shalt  }
0x59: {  	_ =	shalt  }
0x5a: {  	_ =	shalt  }
0x5b: {  	_ =	shalt  }
0x5c: {  	_ =	shalt  }
0x5d: {  	_ =	shalt  }
0x5e: {  	_ =	shalt  }
0x5f: {  	_ =	shalt  }
0x60: {  	_ =	shalt  }
0x61: {  	_ =	shalt  }
0x62: {  	_ =	shalt  }
0x63: {  	_ =	shalt  }
0x64: {  	_ =	shalt  }
0x65: {  	_ =	shalt  }
0x66: {  	_ =	shalt  }
0x67: {  	_ =	shalt  }
0x68: {  	_ =	shalt  }
0x69: {  	_ =	shalt  }
0x6a: {  	_ =	shalt  }
0x6b: {  	_ =	shalt  }
0x6c: {  	_ =	shalt  }
0x6d: {  	_ =	shalt  }
0x6e: {  	_ =	shalt  }
0x6f: {  	_ =	shalt  }
0x70: {  	_ =	shalt  }
0x71: {  	_ =	shalt  }
0x72: {  	_ =	shalt  }
0x73: {  	_ =	shalt  }
0x74: {  	_ =	shalt  }
0x75: {  	_ =	shalt  }
0x76: {  	_ =	shalt  }
0x77: {  	_ =	shalt  }
0x78: {  	_ =	shalt  }
0x79: {  	_ =	shalt  }
0x7a: {  	_ =	shalt  }
0x7b: {  	_ =	shalt  }
0x7c: {  	_ =	shalt  }
0x7d: {  	_ =	shalt  }
0x7e: {  	_ =	shalt  }
0x7f: {  	_ =	shalt  }
0x80: {  	_ =	shalt  }
0x81: {  	_ =	shalt  }
0x82: {  	_ =	shalt  }
0x83: {  	_ =	shalt  }
0x84: {  	_ =	shalt  }
0x85: {  	_ =	shalt  }
0x86: {  	_ =	shalt  }
0x87: {  	_ =	shalt  }
.Lfunc_end0:
.L_simem_size_0:
called_computation.2_lowered:
.L_overlay_start_0:
0x88: {  	s2 =	sld [smem:$0x3FD9]  }
0x89: {  	s3 =	sld [smem:$0x3FFE];
	_ =	sdelay $0x1  }
0x8a: {  	s1 =	srdreg.scid  }
0x8b: {  	s0 =	sand.u32 $0x1, s1  }
0x8c: {  	s17 =	sshll.u32 s0, $0xA;
	s2 =	sadd.s32 s3, s2  }
0x8d: {  	s2 =	sadd.s32 s2, s17  }
0x8e: {  	[smem:$0x3FC4] =	sst s2  }
0x8f: {  	_ = 	snop  }
0x90: {  	s2 =	sld [smem:$0x3FD0];
	(tm) =	ssettm $0x1  }
0x91: {  	s18 =	sld [smem:$0x3FFB];
	_ =	sdelay $0x3  }
0x92: {  	_ =	strace s18  }
0x93: {  	s3 =	sld [smem:$0x3FFC];
	_ =	sdelay $0x3  }
0x94: {  	_ =	strace s3  }
0x95: {  	s3 =	sld [smem:$0x3FFD];
	_ =	sdelay $0x3  }
0x96: {  	_ =	strace s3  }
0x97: {  	_ =	strace $0x8FFFFFFF  }
0x98: {  	s19 =	sld [smem:$0x3FDB];
	_ =	sdelay $0x1  }
0x99: {  	s4 =	simm.s32 $_scs_section_size  }
0x9a: {  	s5 =	simm.s32 $_size__tile_overlayer_lowered;
	s6 =	simm.s32 $_tile_overlayer_lowered  }
0x9b: {  	s22 =	simm.s32 $0x1BFF;
	s21 =	sshll.u32 s6, $0x1;
	s3 =	sadd.s32 s4, s19  }
0x9c: {  	s7 =	simm.s32 $0x0;
	s20 =	sshll.u32 s5, $0x1;
	s5 =	sadd.s32 s21, s3  }
0x9d: {  	[timem:s7], [sflag:s22] =	dma.local [hbm:s5], s20  }
0x9e: {  	_ =	swait.ge [sflag:s22], s20  }
0x9f: {  	s4 =	ssub.s32 $0x0, s20;
	[sflag:s22] =	ssyncset.done $0x0  }
0xa0: {  	[sflag:s22] =	ssyncadd.s32 s4;
	_ =	sdelay $0x1  }
0xa1: {  	s23 =	simm.s32 $0x1B8B  }
0xa2: {  	_ =	swait.ge [sflag:s23], $0x1  }
0xa3: {  	[sflag:s23] =	ssyncset.done $0x0  }
0xa4: {  	s25 =	simm.s32 $0x1B8E;
	s24 =	sld [smem:$0x3FFE];
	[sflag:s23] =	ssyncadd.s32 $0xFFFFFFFF  }
0xa5: {  	s26 =	simm.s32 $execute0_lowered;
	[smem:$0x3FD2] =	sst s25  }
0xa6: {  	s5 =	sshll.u32 s26, $0x1;
	_ =	strace $0x8000004C;
	[dreg:$0x1] =	wrdreg $0xFFFFFFFF  }
0xa7: {  	s28 =	simm.s32 $_size_execute0_lowered;
	s3 =	sadd.s32 s3, s5;
	[dreg:$0x0] =	wrdreg $0x0  }
0xa8: {  	s5 =	sshll.u32 s28, $0x1;
	[dreg:$0x2] =	wrdreg s3  }
0xa9: {  	[dreg:$0x3] =	wrdreg s5  }
0xaa: {  	[dreg:$0x4] =	wrdreg $0xC0  }
0xab: {  	_ =	task [dreg:s7], $0x5FFFF  }
0xac: {  	[dreg:$0x1] =	wrdreg $0xFFFFFFFF  }
0xad: {  	[dreg:$0x0] =	wrdreg $0x60  }
0xae: {  	[dreg:$0x2] =	wrdreg s24  }
0xaf: {  	[dreg:$0x3] =	wrdreg s2  }
0xb0: {  	[dreg:$0x4] =	wrdreg $0x9  }
0xb1: {  	_ =	task.clear_ibuf [dreg:s7], $0x5FFFF;
	_ =	strace $0x9000004C  }
0xb2: {  	s29 =	simm.s32 $0x9;
	_ =	strace $0x8000004E  }
0xb3: {  	_ =	swait.ge [sflag:s29], $0x1  }
0xb4: {  	[sflag:s29] =	ssyncadd.s32 $0xFFFFFFFF  }
0xb5: {  	_ =	strace $0x9000004E  }
0xb6: {  	_ =	sfence  }
0xb7: {  	s30 =	sld [smem:$0x0];
	_ =	sdelay $0x2  }
0xb8: {  	s31 =	sshll.u32 s1, $0xD;
	s1 =	sshrl.u32 s1, $0x2  }
0xb9: {  	s3 =	sand.u32 $0x4000, s31;
	s1 =	sadd.s32 s1, s30  }
0xba: {  	s0 =	sor.u32 s3, s0;
	s1 =	sshll.u32 s1, $0x11  }
0xbb: {  	s0 =	sor.u32 s1, s0  }
0xbc: {  	s0 =	sadd.s32 $0x8F2B, s0  }
0xbd: {  	[sflag:s0] =	ssyncadd.remote.s32 $0x1  }
0xbe: {  	_ =	sfence.sel $0xFFFF  }
0xbf: {  	[dreg:$0x0] =	wrdreg $0xFFFFFFFF;
	(pc) =	sbr.abs _section_cstart, $3  }
0xc0: {  	[dreg:$0x1] =	wrdreg $0xFFFFFFFF  }
0xc1: {  	_ =	task.clear_ibuf [dreg:s7], $0x2FFFF;
	_ =	strace $0x9FFFFFFF  }
0xc2: {  	(tm) =	ssettm $0x7FFFFFFF  }
0xc3: {  	_ =	shalt  }
tec
execute0_lowered:
.L_overlay_start_1:
0x0: {  	(tag) =	ssettag $0x1  }
0x1: {  	s0 =	rddreg [dreg:$0x0];
	s1 =	srdreg.scid  }
0x2: {  	s2 =	stileid.u32;
	s7 =	rddreg [dreg:$0x1]  }
0x3: {  	s10 =	simm.s32 $0x3;
	s12 =	simm.s32 $0x80;
	s14 =	simm.s32 $0x8400  }
0x4: {  	s15 =	simm.s32 $0x9400;
	s17 =	simm.s32 $0xA400;
	s19 =	simm.s32 $0xB400  }
0x5: {  	s21 =	simm.s32 $0xC400;
	s22 =	simm.s32 $0x280;
	s23 =	simm.s32 $0xD400  }
0x6: {  	s24 =	simm.s32 $0x300;
	s28 =	simm.s32 $0xF400;
	s29 =	simm.s32 $0x1  }
0x7: {  	s30 =	simm.s32 $0x2;
	s31 =	simm.s32 $0x6400;
	s1 =	sand.u32 $0x1, s1  }
0x8: {  	s3 =	sshll.u32 s2, $0x1;
	s2 =	simm.s32 $0x0;
	s4 =	sadd.s32 $0x7BB800, s0  }
0x9: {  	s5 =	sadd.s32 $0x7BBA00, s0;
	s6 =	sor.u32 s1, s3;
	[smem:$0x7FF] =	sst s2  }
0xa: {  	s1 =	ssub.s32 $0x2, s1;
	s3 =	sshll.u32 s6, $0x4;
	_ =	strace $0x8000004D  }
0xb: {  	s9 =	sshrl.u32 s1, $0x1;
	s26 =	sshll.u32 s6, $0x5;
	s8 =	sadd.s32 s3, s0  }
0xc: {  	s3 =	sadd.s32 $0x1400, s0;
	s25 =	ssub.s32 s1, s9;
	s7 =	sadd.s32 s7, s26  }
0xd: {  	s26 =	simm.s32 $0x380;
	s1 =	simm.s32 $0x10400;
	s0 =	simm.s32 $0x0  }
0xe: {  	v0 =	vimm.f32 $0.0e+00;
	v1 =	vlaneseq.u32;
	s6 =	sadd.s32 $0x7A2800, s8;
	s8 =	smax.u32 s25, $0x1;
	s25 =	simm.s32 $0xE400  }
.LBB2_1:
0xf: {  	s9 =	simm.s32 $0x10500  }
0x10: {  	[tilespmem:s9], [sflag:$0x3] =	stream.linear.gather [hbm4b:s4+s2], $0x800, $0x38;
	[tilespmem:$0x10D20] =	vst v63  }
0x11: {  	_ =	swait.ge [sflag:s10], $0x800  }
0x12: {  	[sflag:s10] =	ssyncset.done $0x0  }
0x13: {  	s18 =	simm.s32 $0x10D00;
	[sflag:s10] =	ssyncadd.s32 $0xFFFFF800  }
0x14: {  	[tilespmem:s18], [sflag:$0x3] =	stream.linear.gather [hbm4b:s5+s2], $0x20, $0x38;
	[tilespmem:$0x10D20] =	vst v63  }
0x15: {  	_ =	swait.ge [sflag:s10], $0x20  }
0x16: {  	[sflag:s10] =	ssyncset.done $0x0  }
0x17: {  	s20 =	simm.s32 $0x1000;
	[sflag:s10] =	ssyncadd.s32 $0xFFFFFFE0  }
0x18: {  	[tilespmem:s2], [sflag:$0x3] =	stream.strided.gather [hbm4b:s6+s12], $0x6400, s20, s12, $0x38;
	[tilespmem:$0x10D20] =	vst v63  }
0x19: {  	_ =	swait.ge [sflag:s10], $0x6400  }
0x1a: {  	[sflag:s10] =	ssyncset.done $0x0  }
0x1b: {  	s11 =	simm.s32 $0x100;
	s9 =	simm.s32 $0x0;
	[sflag:s10] =	ssyncadd.s32 $0xFFFF9C00  }
.LBB2_2:
0x1c: {  	p0 =	sne.s32 s11, $0x7F00;
	[tilespmem:s9+$0x6430] =	vst v0;
	s13 =	smov.u32 s11;
	s11 =	sadd.s32 $0x100, s11  }
.Ltmp0:
0x1d: {  	[tilespmem:s9+$0x6420] =	vst v0;
	(pc) =	sbr.rel @p0 .LBB2_2-.Ltmp0, $3  }
0x1e: {  	[tilespmem:s9+$0x6400] =	vst v0  }
0x1f: {  	[tilespmem:s9+$0x6410] =	vst v0;
	_ =	sdelay $0x1  }
0x20: {  	s9 =	sshra.s32 s13, $0x2  }
0x21: {  	[tilespmem:s9+$0x6430] =	vst v0  }
0x22: {  	[tilespmem:s9+$0x6420] =	vst v0  }
0x23: {  	[tilespmem:s9+$0x6400] =	vst v0  }
0x24: {  	[tilespmem:s9+$0x6410] =	vst v0;
	s9 =	simm.s32 $0x0  }
0x25: {  	[tilespmem:s14], [sflag:$0x1] =	stream.indirect.gather [hbm4b:s3+s12], $0x20, s9, s12, $0xb8;
	[tilespmem:$0x10D20] =	vst v63  }
0x26: {  	_ = 	snop  }
0x27: {  	[tilespmem:s15], [sflag:$0x1] =	stream.indirect.gather [hbm4b:s3+s12], $0x20, s12, s12, $0xb8;
	[tilespmem:$0x10D20] =	vst v63  }
0x28: {  	s11 =	simm.s32 $0x100  }
0x29: {  	[tilespmem:s17], [sflag:$0x1] =	stream.indirect.gather [hbm4b:s3+s12], $0x20, s11, s12, $0xb8;
	[tilespmem:$0x10D20] =	vst v63  }
0x2a: {  	s18 =	simm.s32 $0x180  }
0x2b: {  	[tilespmem:s19], [sflag:$0x1] =	stream.indirect.gather [hbm4b:s3+s12], $0x20, s18, s12, $0xb8;
	[tilespmem:$0x10D20] =	vst v63  }
0x2c: {  	s20 =	simm.s32 $0x200  }
0x2d: {  	[tilespmem:s21], [sflag:$0x2] =	stream.indirect.gather [hbm4b:s3+s12], $0x20, s20, s12, $0xb8;
	[tilespmem:$0x10D20] =	vst v63  }
0x2e: {  	_ = 	snop  }
0x2f: {  	[tilespmem:s23], [sflag:$0x2] =	stream.indirect.gather [hbm4b:s3+s12], $0x20, s22, s12, $0xb8;
	[tilespmem:$0x10D20] =	vst v63  }
0x30: {  	_ = 	snop  }
0x31: {  	[tilespmem:s25], [sflag:$0x2] =	stream.indirect.gather [hbm4b:s3+s12], $0x20, s24, s12, $0xb8;
	[tilespmem:$0x10D20] =	vst v63  }
0x32: {  	_ = 	snop  }
0x33: {  	[tilespmem:s28], [sflag:$0x2] =	stream.indirect.gather [hbm4b:s3+s12], $0x20, s26, s12, $0xb8;
	[tilespmem:$0x10D20] =	vst v63  }
.LBB2_4:
0x34: {  	_ =	swait.ge [sflag:s29], $0x1000  }
0x35: {  	[sflag:s29] =	ssyncset.done $0x0  }
0x36: {  	[sflag:s29] =	ssyncadd.s32 $0xFFFFF000  }
0x37: {  	_ =	swait.ge [sflag:s29], $0x1000  }
0x38: {  	[sflag:s29] =	ssyncset.done $0x0  }
0x39: {  	[sflag:s29] =	ssyncadd.s32 $0xFFFFF000  }
0x3a: {  	_ =	swait.ge [sflag:s29], $0x1000  }
0x3b: {  	[sflag:s29] =	ssyncset.done $0x0  }
0x3c: {  	[sflag:s29] =	ssyncadd.s32 $0xFFFFF000  }
0x3d: {  	_ =	swait.ge [sflag:s29], $0x1000  }
0x3e: {  	[sflag:s29] =	ssyncset.done $0x0  }
0x3f: {  	s13 =	simm.s32 $0x0;
	[sflag:s29] =	ssyncadd.s32 $0xFFFFF000  }
0x40: {  	v2 =	vld [tilespmem:s13+$0x8400];
	_ =	sdelay $0x1  }
0x41: {  	v3 =	vld [tilespmem:s13+$0x9400];
	_ =	sdelay $0x1  }
0x42: {  	v4 =	vld [tilespmem:s13+$0xA400]  }
0x43: {  	v5 =	vunpack.i.l.bf16.f32 v2  }
0x44: {  	v6 =	vld [tilespmem:s13+$0xB400];
	v2 =	vunpack.i.u.bf16.f32 v2;
	v5 =	vadd.f32 $0.0e+00, v5  }
0x45: {  	v7 =	vunpack.i.l.bf16.f32 v3;
	v2 =	vadd.f32 $0.0e+00, v2  }
0x46: {  	s11 =	simm.s32 $0x6420;
	v3 =	vunpack.i.u.bf16.f32 v3;
	v5 =	vadd.f32 v7, v5  }
0x47: {  	v59 =	vld [tilespmem:s11+$0xFFFFFFE0];
	v2 =	vadd.f32 v3, v2;
	v3 =	vunpack.i.l.bf16.f32 v4  }
0x48: {  	v8 =	vld [tilespmem:s11+$0xFFFFFFF0];
	v4 =	vunpack.i.u.bf16.f32 v4;
	v3 =	vadd.f32 v3, v5  }
0x49: {  	v2 =	vadd.f32 v4, v2;
	v4 =	vunpack.i.l.bf16.f32 v6  }
0x4a: {  	v5 =	vunpack.i.u.bf16.f32 v6;
	v3 =	vadd.f32 v4, v3  }
0x4b: {  	v2 =	vadd.f32 v5, v2  }
0x4c: {  	v3 =	vadd.f32 v3, v59  }
0x4d: {  	v2 =	vadd.f32 v8, v2  }
0x4e: {  	[tilespmem:s11+$0xFFFFFFE0] =	vst v3  }
0x4f: {  	[tilespmem:s11+$0xFFFFFFF0] =	vst v2  }
0x50: {  	v2 =	vld [tilespmem:s13+$0x8410];
	_ =	sdelay $0x1  }
0x51: {  	v3 =	vld [tilespmem:s13+$0x9410];
	_ =	sdelay $0x1  }
0x52: {  	v4 =	vld [tilespmem:s13+$0xA410]  }
0x53: {  	v5 =	vunpack.i.u.bf16.f32 v2;
	v2 =	vunpack.i.l.bf16.f32 v2  }
0x54: {  	v60 =	vld [tilespmem:s13+$0xB410];
	v2 =	vadd.f32 $0.0e+00, v2;
	v5 =	vadd.f32 $0.0e+00, v5  }
0x55: {  	v61 =	vunpack.i.u.bf16.f32 v3;
	v3 =	vunpack.i.l.bf16.f32 v3  }
0x56: {  	v63 =	vld [tilespmem:s11+$0x10];
	v2 =	vadd.f32 v3, v2;
	v3 =	vadd.f32 v61, v5  }
0x57: {  	v62 =	vunpack.i.u.bf16.f32 v4;
	v4 =	vunpack.i.l.bf16.f32 v4;
	v5 =	vld [tilespmem:s11+$0x0]  }
0x58: {  	v2 =	vadd.f32 v4, v2;
	v3 =	vadd.f32 v62, v3  }
0x59: {  	v6 =	vunpack.i.l.bf16.f32 v60;
	v4 =	vunpack.i.u.bf16.f32 v60  }
0x5a: {  	v2 =	vadd.f32 v6, v2;
	v4 =	vadd.f32 v4, v3;
	_ =	sdelay $0x1  }
0x5b: {  	s16 =	simm.s32 $0x80;
	s13 =	simm.s32 $0x6420;
	v3 =	vadd.f32 v2, v5;
	v2 =	vadd.f32 v63, v4  }
.LBB2_5:
0x5c: {  	p0 =	sne.s32 s16, $0x3F80  }
0x5d: {  	s11 =	sadd.s32 $0x40, s11;
	s18 =	smov.u32 s16;
	s16 =	sadd.s32 $0x80, s16  }
0x5e: {  	[tilespmem:s13+$0x0] =	vst v3  }
0x5f: {  	s18 =	sshra.s32 s18, $0x2;
	[tilespmem:s13+$0x10] =	vst v2;
	s13 =	smov.u32 s11  }
0x60: {  	v2 =	vld [tilespmem:s18+$0x8400];
	_ =	sdelay $0x1  }
0x61: {  	v3 =	vld [tilespmem:s18+$0x9400];
	_ =	sdelay $0x1  }
0x62: {  	v4 =	vld [tilespmem:s18+$0xA400]  }
0x63: {  	v5 =	vunpack.i.u.bf16.f32 v2;
	v2 =	vunpack.i.l.bf16.f32 v2  }
0x64: {  	v2 =	vadd.f32 $0.0e+00, v2;
	v5 =	vadd.f32 $0.0e+00, v5;
	v6 =	vld [tilespmem:s18+$0xB400]  }
0x65: {  	v7 =	vunpack.i.u.bf16.f32 v3;
	v3 =	vunpack.i.l.bf16.f32 v3  }
0x66: {  	v2 =	vadd.f32 v3, v2;
	v3 =	vadd.f32 v7, v5;
	v5 =	vld [tilespmem:s11+$0xFFFFFFF0]  }
0x67: {  	v7 =	vunpack.i.u.bf16.f32 v4;
	v4 =	vunpack.i.l.bf16.f32 v4;
	v8 =	vld [tilespmem:s11+$0xFFFFFFE0]  }
0x68: {  	v2 =	vadd.f32 v4, v2;
	v3 =	vadd.f32 v7, v3  }
0x69: {  	v4 =	vunpack.i.u.bf16.f32 v6;
	v6 =	vunpack.i.l.bf16.f32 v6  }
0x6a: {  	v2 =	vadd.f32 v6, v2;
	v3 =	vadd.f32 v4, v3;
	_ =	sdelay $0x1  }
0x6b: {  	v2 =	vadd.f32 v2, v8;
	v3 =	vadd.f32 v5, v3;
	_ =	sdelay $0x1  }
0x6c: {  	[tilespmem:s11+$0xFFFFFFE0] =	vst v2  }
0x6d: {  	[tilespmem:s11+$0xFFFFFFF0] =	vst v3  }
0x6e: {  	v2 =	vld [tilespmem:s18+$0x8410]  }
0x6f: {  	v3 =	vld [tilespmem:s18+$0x9410]  }
0x70: {  	v4 =	vld [tilespmem:s18+$0xA410]  }
0x71: {  	v5 =	vld [tilespmem:s18+$0xB410];
	_ =	sdelay $0x1  }
0x72: {  	v6 =	vunpack.i.u.bf16.f32 v2;
	v2 =	vunpack.i.l.bf16.f32 v2  }
0x73: {  	v2 =	vadd.f32 $0.0e+00, v2;
	v6 =	vadd.f32 $0.0e+00, v6  }
0x74: {  	v7 =	vunpack.i.u.bf16.f32 v3;
	v3 =	vunpack.i.l.bf16.f32 v3  }
0x75: {  	v2 =	vadd.f32 v3, v2;
	v3 =	vadd.f32 v7, v6;
	v6 =	vld [tilespmem:s11+$0x0]  }
0x76: {  	v7 =	vunpack.i.u.bf16.f32 v4;
	v4 =	vunpack.i.l.bf16.f32 v4;
	v8 =	vld [tilespmem:s11+$0x10]  }
.Ltmp1:
0x77: {  	v2 =	vadd.f32 v4, v2;
	v3 =	vadd.f32 v7, v3;
	(pc) =	sbr.rel @p0 .LBB2_5-.Ltmp1, $3  }
0x78: {  	v4 =	vunpack.i.u.bf16.f32 v5;
	v5 =	vunpack.i.l.bf16.f32 v5  }
0x79: {  	v2 =	vadd.f32 v5, v2;
	v4 =	vadd.f32 v4, v3;
	_ =	sdelay $0x1  }
0x7a: {  	v3 =	vadd.f32 v2, v6;
	v2 =	vadd.f32 v8, v4  }
0x7b: {  	s11 =	sshll.u32 s9, $0xA  }
0x7c: {  	[tilespmem:s13+$0x0] =	vst v3;
	s11 =	sand.u32 $0x3FFFFC00, s11  }
0x7d: {  	[tilespmem:s13+$0x10] =	vst v2;
	s20 =	sadd.s32 $0x400, s11  }
0x7e: {  	[tilespmem:s14], [sflag:$0x1] =	stream.indirect.gather [hbm4b:s3+s12], $0x20, s20, s12, $0xb8;
	[tilespmem:$0x10D20] =	vst v63  }
0x7f: {  	s16 =	sadd.s32 $0x480, s11  }
0x80: {  	[tilespmem:s15], [sflag:$0x1] =	stream.indirect.gather [hbm4b:s3+s12], $0x20, s16, s12, $0xb8;
	[tilespmem:$0x10D20] =	vst v63  }
0x81: {  	s18 =	sadd.s32 $0x500, s11  }
0x82: {  	[tilespmem:s17], [sflag:$0x1] =	stream.indirect.gather [hbm4b:s3+s12], $0x20, s18, s12, $0xb8;
	[tilespmem:$0x10D20] =	vst v63  }
0x83: {  	s20 =	sadd.s32 $0x580, s11  }
0x84: {  	[tilespmem:s19], [sflag:$0x1] =	stream.indirect.gather [hbm4b:s3+s12], $0x20, s20, s12, $0xb8;
	[tilespmem:$0x10D20] =	vst v63  }
0x85: {  	_ =	swait.ge [sflag:s30], $0x1000  }
0x86: {  	[sflag:s30] =	ssyncset.done $0x0  }
0x87: {  	[sflag:s30] =	ssyncadd.s32 $0xFFFFF000  }
0x88: {  	_ =	swait.ge [sflag:s30], $0x1000  }
0x89: {  	[sflag:s30] =	ssyncset.done $0x0  }
0x8a: {  	[sflag:s30] =	ssyncadd.s32 $0xFFFFF000  }
0x8b: {  	_ =	swait.ge [sflag:s30], $0x1000  }
0x8c: {  	[sflag:s30] =	ssyncset.done $0x0  }
0x8d: {  	[sflag:s30] =	ssyncadd.s32 $0xFFFFF000  }
0x8e: {  	_ =	swait.ge [sflag:s30], $0x1000  }
0x8f: {  	[sflag:s30] =	ssyncset.done $0x0  }
0x90: {  	s16 =	simm.s32 $0x0;
	[sflag:s30] =	ssyncadd.s32 $0xFFFFF000  }
0x91: {  	v2 =	vld [tilespmem:s16+$0xC400];
	_ =	sdelay $0x1  }
0x92: {  	v3 =	vld [tilespmem:s16+$0xD400];
	_ =	sdelay $0x1  }
0x93: {  	v4 =	vld [tilespmem:s16+$0xE400]  }
0x94: {  	v5 =	vunpack.i.l.bf16.f32 v2  }
0x95: {  	v6 =	vld [tilespmem:s16+$0xF400];
	v2 =	vunpack.i.u.bf16.f32 v2;
	v5 =	vadd.f32 $0.0e+00, v5  }
0x96: {  	v7 =	vunpack.i.l.bf16.f32 v3;
	v2 =	vadd.f32 $0.0e+00, v2  }
0x97: {  	s13 =	simm.s32 $0x6420;
	v3 =	vunpack.i.u.bf16.f32 v3;
	v5 =	vadd.f32 v7, v5  }
0x98: {  	v59 =	vld [tilespmem:s13+$0xFFFFFFE0];
	v2 =	vadd.f32 v3, v2;
	v3 =	vunpack.i.l.bf16.f32 v4  }
0x99: {  	v8 =	vld [tilespmem:s13+$0xFFFFFFF0];
	v4 =	vunpack.i.u.bf16.f32 v4;
	v3 =	vadd.f32 v3, v5  }
0x9a: {  	v2 =	vadd.f32 v4, v2;
	v4 =	vunpack.i.l.bf16.f32 v6  }
0x9b: {  	v5 =	vunpack.i.u.bf16.f32 v6;
	v3 =	vadd.f32 v4, v3  }
0x9c: {  	v2 =	vadd.f32 v5, v2  }
0x9d: {  	v3 =	vadd.f32 v3, v59  }
0x9e: {  	v2 =	vadd.f32 v8, v2  }
0x9f: {  	[tilespmem:s13+$0xFFFFFFE0] =	vst v3  }
0xa0: {  	[tilespmem:s13+$0xFFFFFFF0] =	vst v2  }
0xa1: {  	v2 =	vld [tilespmem:s16+$0xC410];
	_ =	sdelay $0x1  }
0xa2: {  	v3 =	vld [tilespmem:s16+$0xD410];
	_ =	sdelay $0x1  }
0xa3: {  	v4 =	vld [tilespmem:s16+$0xE410]  }
0xa4: {  	v5 =	vunpack.i.u.bf16.f32 v2;
	v2 =	vunpack.i.l.bf16.f32 v2  }
0xa5: {  	v60 =	vld [tilespmem:s16+$0xF410];
	v2 =	vadd.f32 $0.0e+00, v2;
	v5 =	vadd.f32 $0.0e+00, v5  }
0xa6: {  	v61 =	vunpack.i.u.bf16.f32 v3;
	v3 =	vunpack.i.l.bf16.f32 v3  }
0xa7: {  	v63 =	vld [tilespmem:s13+$0x10];
	v2 =	vadd.f32 v3, v2;
	v3 =	vadd.f32 v61, v5  }
0xa8: {  	v62 =	vunpack.i.u.bf16.f32 v4;
	v4 =	vunpack.i.l.bf16.f32 v4;
	v5 =	vld [tilespmem:s13+$0x0]  }
0xa9: {  	v2 =	vadd.f32 v4, v2;
	v3 =	vadd.f32 v62, v3  }
0xaa: {  	v6 =	vunpack.i.l.bf16.f32 v60;
	v4 =	vunpack.i.u.bf16.f32 v60  }
0xab: {  	v2 =	vadd.f32 v6, v2;
	v4 =	vadd.f32 v4, v3;
	_ =	sdelay $0x1  }
0xac: {  	s18 =	simm.s32 $0x6420;
	s16 =	simm.s32 $0x80;
	v3 =	vadd.f32 v2, v5;
	v2 =	vadd.f32 v63, v4  }
.LBB2_7:
0xad: {  	p0 =	sne.s32 s16, $0x3F80  }
0xae: {  	s13 =	sadd.s32 $0x40, s13;
	s20 =	smov.u32 s16;
	s16 =	sadd.s32 $0x80, s16  }
0xaf: {  	[tilespmem:s18+$0x0] =	vst v3  }
0xb0: {  	s20 =	sshra.s32 s20, $0x2;
	[tilespmem:s18+$0x10] =	vst v2;
	s18 =	smov.u32 s13  }
0xb1: {  	v2 =	vld [tilespmem:s20+$0xC400];
	_ =	sdelay $0x1  }
0xb2: {  	v3 =	vld [tilespmem:s20+$0xD400];
	_ =	sdelay $0x1  }
0xb3: {  	v4 =	vld [tilespmem:s20+$0xE400]  }
0xb4: {  	v5 =	vunpack.i.u.bf16.f32 v2;
	v2 =	vunpack.i.l.bf16.f32 v2  }
0xb5: {  	v2 =	vadd.f32 $0.0e+00, v2;
	v5 =	vadd.f32 $0.0e+00, v5;
	v6 =	vld [tilespmem:s20+$0xF400]  }
0xb6: {  	v7 =	vunpack.i.u.bf16.f32 v3;
	v3 =	vunpack.i.l.bf16.f32 v3  }
0xb7: {  	v2 =	vadd.f32 v3, v2;
	v3 =	vadd.f32 v7, v5;
	v5 =	vld [tilespmem:s13+$0xFFFFFFF0]  }
0xb8: {  	v7 =	vunpack.i.u.bf16.f32 v4;
	v4 =	vunpack.i.l.bf16.f32 v4;
	v8 =	vld [tilespmem:s13+$0xFFFFFFE0]  }
0xb9: {  	v2 =	vadd.f32 v4, v2;
	v3 =	vadd.f32 v7, v3  }
0xba: {  	v4 =	vunpack.i.u.bf16.f32 v6;
	v6 =	vunpack.i.l.bf16.f32 v6  }
0xbb: {  	v2 =	vadd.f32 v6, v2;
	v3 =	vadd.f32 v4, v3;
	_ =	sdelay $0x1  }
0xbc: {  	v2 =	vadd.f32 v2, v8;
	v3 =	vadd.f32 v5, v3;
	_ =	sdelay $0x1  }
0xbd: {  	[tilespmem:s13+$0xFFFFFFE0] =	vst v2  }
0xbe: {  	[tilespmem:s13+$0xFFFFFFF0] =	vst v3  }
0xbf: {  	v2 =	vld [tilespmem:s20+$0xC410]  }
0xc0: {  	v3 =	vld [tilespmem:s20+$0xD410]  }
0xc1: {  	v4 =	vld [tilespmem:s20+$0xE410]  }
0xc2: {  	v5 =	vld [tilespmem:s20+$0xF410];
	_ =	sdelay $0x1  }
0xc3: {  	v6 =	vunpack.i.u.bf16.f32 v2;
	v2 =	vunpack.i.l.bf16.f32 v2  }
0xc4: {  	v2 =	vadd.f32 $0.0e+00, v2;
	v6 =	vadd.f32 $0.0e+00, v6  }
0xc5: {  	v7 =	vunpack.i.u.bf16.f32 v3;
	v3 =	vunpack.i.l.bf16.f32 v3  }
0xc6: {  	v2 =	vadd.f32 v3, v2;
	v3 =	vadd.f32 v7, v6;
	v6 =	vld [tilespmem:s13+$0x0]  }
0xc7: {  	v7 =	vunpack.i.u.bf16.f32 v4;
	v4 =	vunpack.i.l.bf16.f32 v4;
	v8 =	vld [tilespmem:s13+$0x10]  }
.Ltmp2:
0xc8: {  	v2 =	vadd.f32 v4, v2;
	v3 =	vadd.f32 v7, v3;
	(pc) =	sbr.rel @p0 .LBB2_7-.Ltmp2, $3  }
0xc9: {  	v4 =	vunpack.i.u.bf16.f32 v5;
	v5 =	vunpack.i.l.bf16.f32 v5  }
0xca: {  	v2 =	vadd.f32 v5, v2;
	v4 =	vadd.f32 v4, v3;
	_ =	sdelay $0x1  }
0xcb: {  	v3 =	vadd.f32 v2, v6;
	v2 =	vadd.f32 v8, v4  }
0xcc: {  	_ = 	snop  }
0xcd: {  	[tilespmem:s18+$0x0] =	vst v3  }
0xce: {  	s13 =	sadd.s32 $0x600, s11;
	s9 =	sadd.s32 $0x1, s9;
	[tilespmem:s18+$0x10] =	vst v2  }
0xcf: {  	[tilespmem:s21], [sflag:$0x2] =	stream.indirect.gather [hbm4b:s3+s12], $0x20, s13, s12, $0xb8;
	[tilespmem:$0x10D20] =	vst v63  }
0xd0: {  	s16 =	sadd.s32 $0x680, s11;
	p0 =	sne.s32 s9, $0x18  }
0xd1: {  	[tilespmem:s23], [sflag:$0x2] =	stream.indirect.gather [hbm4b:s3+s12], $0x20, s16, s12, $0xb8;
	[tilespmem:$0x10D20] =	vst v63  }
.Ltmp3:
0xd2: {  	_ = 	snop;
	(pc) =	sbr.rel @p0 .LBB2_4-.Ltmp3, $4  }
0xd3: {  	s18 =	sadd.s32 $0x700, s11  }
0xd4: {  	[tilespmem:s25], [sflag:$0x2] =	stream.indirect.gather [hbm4b:s3+s12], $0x20, s18, s12, $0xb8;
	[tilespmem:$0x10D20] =	vst v63  }
0xd5: {  	s20 =	sadd.s32 $0x780, s11  }
0xd6: {  	[tilespmem:s28], [sflag:$0x2] =	stream.indirect.gather [hbm4b:s3+s12], $0x20, s20, s12, $0xb8;
	[tilespmem:$0x10D20] =	vst v63  }
0xd7: {  	_ =	swait.ge [sflag:s29], $0x1000  }
0xd8: {  	[sflag:s29] =	ssyncset.done $0x0  }
0xd9: {  	[sflag:s29] =	ssyncadd.s32 $0xFFFFF000  }
0xda: {  	_ =	swait.ge [sflag:s29], $0x1000  }
0xdb: {  	[sflag:s29] =	ssyncset.done $0x0  }
0xdc: {  	[sflag:s29] =	ssyncadd.s32 $0xFFFFF000  }
0xdd: {  	_ =	swait.ge [sflag:s29], $0x1000  }
0xde: {  	[sflag:s29] =	ssyncset.done $0x0  }
0xdf: {  	[sflag:s29] =	ssyncadd.s32 $0xFFFFF000  }
0xe0: {  	_ =	swait.ge [sflag:s29], $0x1000  }
0xe1: {  	[sflag:s29] =	ssyncset.done $0x0  }
0xe2: {  	s11 =	simm.s32 $0x0;
	[sflag:s29] =	ssyncadd.s32 $0xFFFFF000  }
0xe3: {  	v2 =	vld [tilespmem:s11+$0x8400];
	_ =	sdelay $0x1  }
0xe4: {  	v3 =	vld [tilespmem:s11+$0x9400];
	_ =	sdelay $0x1  }
0xe5: {  	v4 =	vld [tilespmem:s11+$0xA400]  }
0xe6: {  	v5 =	vunpack.i.l.bf16.f32 v2  }
0xe7: {  	v6 =	vld [tilespmem:s11+$0xB400];
	v2 =	vunpack.i.u.bf16.f32 v2;
	v5 =	vadd.f32 $0.0e+00, v5  }
0xe8: {  	v7 =	vunpack.i.l.bf16.f32 v3;
	v2 =	vadd.f32 $0.0e+00, v2  }
0xe9: {  	s9 =	simm.s32 $0x6420;
	v3 =	vunpack.i.u.bf16.f32 v3;
	v5 =	vadd.f32 v7, v5  }
0xea: {  	v59 =	vld [tilespmem:s9+$0xFFFFFFE0];
	v2 =	vadd.f32 v3, v2;
	v3 =	vunpack.i.l.bf16.f32 v4  }
0xeb: {  	v8 =	vld [tilespmem:s9+$0xFFFFFFF0];
	v4 =	vunpack.i.u.bf16.f32 v4;
	v3 =	vadd.f32 v3, v5  }
0xec: {  	v2 =	vadd.f32 v4, v2;
	v4 =	vunpack.i.l.bf16.f32 v6  }
0xed: {  	v5 =	vunpack.i.u.bf16.f32 v6;
	v3 =	vadd.f32 v4, v3  }
0xee: {  	v2 =	vadd.f32 v5, v2  }
0xef: {  	v3 =	vadd.f32 v3, v59  }
0xf0: {  	v2 =	vadd.f32 v8, v2  }
0xf1: {  	[tilespmem:s9+$0xFFFFFFE0] =	vst v3  }
0xf2: {  	[tilespmem:s9+$0xFFFFFFF0] =	vst v2  }
0xf3: {  	v2 =	vld [tilespmem:s11+$0x8410];
	_ =	sdelay $0x1  }
0xf4: {  	v3 =	vld [tilespmem:s11+$0x9410];
	_ =	sdelay $0x1  }
0xf5: {  	v4 =	vld [tilespmem:s11+$0xA410]  }
0xf6: {  	v5 =	vunpack.i.u.bf16.f32 v2;
	v2 =	vunpack.i.l.bf16.f32 v2  }
0xf7: {  	v60 =	vld [tilespmem:s11+$0xB410];
	v2 =	vadd.f32 $0.0e+00, v2;
	v5 =	vadd.f32 $0.0e+00, v5  }
0xf8: {  	v61 =	vunpack.i.u.bf16.f32 v3;
	v3 =	vunpack.i.l.bf16.f32 v3  }
0xf9: {  	v63 =	vld [tilespmem:s9+$0x10];
	v2 =	vadd.f32 v3, v2;
	v3 =	vadd.f32 v61, v5  }
0xfa: {  	v62 =	vunpack.i.u.bf16.f32 v4;
	v4 =	vunpack.i.l.bf16.f32 v4;
	v5 =	vld [tilespmem:s9+$0x0]  }
0xfb: {  	v2 =	vadd.f32 v4, v2;
	v3 =	vadd.f32 v62, v3  }
0xfc: {  	v6 =	vunpack.i.l.bf16.f32 v60;
	v4 =	vunpack.i.u.bf16.f32 v60  }
0xfd: {  	v2 =	vadd.f32 v6, v2;
	v4 =	vadd.f32 v4, v3;
	_ =	sdelay $0x1  }
0xfe: {  	s13 =	simm.s32 $0x6420;
	s11 =	simm.s32 $0x80;
	v3 =	vadd.f32 v2, v5;
	v2 =	vadd.f32 v63, v4  }
.LBB2_10:
0xff: {  	p0 =	sne.s32 s11, $0x3F80  }
0x100: {  	s9 =	sadd.s32 $0x40, s9;
	s16 =	smov.u32 s11;
	s11 =	sadd.s32 $0x80, s11  }
0x101: {  	[tilespmem:s13+$0x0] =	vst v3  }
0x102: {  	s16 =	sshra.s32 s16, $0x2;
	[tilespmem:s13+$0x10] =	vst v2;
	s13 =	smov.u32 s9  }
0x103: {  	v2 =	vld [tilespmem:s16+$0x8400];
	_ =	sdelay $0x1  }
0x104: {  	v3 =	vld [tilespmem:s16+$0x9400];
	_ =	sdelay $0x1  }
0x105: {  	v4 =	vld [tilespmem:s16+$0xA400]  }
0x106: {  	v5 =	vunpack.i.u.bf16.f32 v2;
	v2 =	vunpack.i.l.bf16.f32 v2  }
0x107: {  	v2 =	vadd.f32 $0.0e+00, v2;
	v5 =	vadd.f32 $0.0e+00, v5;
	v6 =	vld [tilespmem:s16+$0xB400]  }
0x108: {  	v7 =	vunpack.i.u.bf16.f32 v3;
	v3 =	vunpack.i.l.bf16.f32 v3  }
0x109: {  	v2 =	vadd.f32 v3, v2;
	v3 =	vadd.f32 v7, v5;
	v5 =	vld [tilespmem:s9+$0xFFFFFFF0]  }
0x10a: {  	v7 =	vunpack.i.u.bf16.f32 v4;
	v4 =	vunpack.i.l.bf16.f32 v4;
	v8 =	vld [tilespmem:s9+$0xFFFFFFE0]  }
0x10b: {  	v2 =	vadd.f32 v4, v2;
	v3 =	vadd.f32 v7, v3  }
0x10c: {  	v4 =	vunpack.i.u.bf16.f32 v6;
	v6 =	vunpack.i.l.bf16.f32 v6  }
0x10d: {  	v2 =	vadd.f32 v6, v2;
	v3 =	vadd.f32 v4, v3;
	_ =	sdelay $0x1  }
0x10e: {  	v2 =	vadd.f32 v2, v8;
	v3 =	vadd.f32 v5, v3;
	_ =	sdelay $0x1  }
0x10f: {  	[tilespmem:s9+$0xFFFFFFE0] =	vst v2  }
0x110: {  	[tilespmem:s9+$0xFFFFFFF0] =	vst v3  }
0x111: {  	v2 =	vld [tilespmem:s16+$0x8410]  }
0x112: {  	v3 =	vld [tilespmem:s16+$0x9410]  }
0x113: {  	v4 =	vld [tilespmem:s16+$0xA410]  }
0x114: {  	v5 =	vld [tilespmem:s16+$0xB410];
	_ =	sdelay $0x1  }
0x115: {  	v6 =	vunpack.i.u.bf16.f32 v2;
	v2 =	vunpack.i.l.bf16.f32 v2  }
0x116: {  	v2 =	vadd.f32 $0.0e+00, v2;
	v6 =	vadd.f32 $0.0e+00, v6  }
0x117: {  	v7 =	vunpack.i.u.bf16.f32 v3;
	v3 =	vunpack.i.l.bf16.f32 v3  }
0x118: {  	v2 =	vadd.f32 v3, v2;
	v3 =	vadd.f32 v7, v6;
	v6 =	vld [tilespmem:s9+$0x0]  }
0x119: {  	v7 =	vunpack.i.u.bf16.f32 v4;
	v4 =	vunpack.i.l.bf16.f32 v4;
	v8 =	vld [tilespmem:s9+$0x10]  }
.Ltmp4:
0x11a: {  	v2 =	vadd.f32 v4, v2;
	v3 =	vadd.f32 v7, v3;
	(pc) =	sbr.rel @p0 .LBB2_10-.Ltmp4, $3  }
0x11b: {  	v4 =	vunpack.i.u.bf16.f32 v5;
	v5 =	vunpack.i.l.bf16.f32 v5  }
0x11c: {  	v2 =	vadd.f32 v5, v2;
	v4 =	vadd.f32 v4, v3;
	_ =	sdelay $0x1  }
0x11d: {  	v3 =	vadd.f32 v2, v6;
	v2 =	vadd.f32 v8, v4  }
0x11e: {  	_ = 	snop  }
0x11f: {  	[tilespmem:s13+$0x0] =	vst v3  }
0x120: {  	[tilespmem:s13+$0x10] =	vst v2  }
0x121: {  	_ =	swait.ge [sflag:s30], $0x1000  }
0x122: {  	[sflag:s30] =	ssyncset.done $0x0  }
0x123: {  	[sflag:s30] =	ssyncadd.s32 $0xFFFFF000  }
0x124: {  	_ =	swait.ge [sflag:s30], $0x1000  }
0x125: {  	[sflag:s30] =	ssyncset.done $0x0  }
0x126: {  	[sflag:s30] =	ssyncadd.s32 $0xFFFFF000  }
0x127: {  	_ =	swait.ge [sflag:s30], $0x1000  }
0x128: {  	[sflag:s30] =	ssyncset.done $0x0  }
0x129: {  	[sflag:s30] =	ssyncadd.s32 $0xFFFFF000  }
0x12a: {  	_ =	swait.ge [sflag:s30], $0x1000  }
0x12b: {  	[sflag:s30] =	ssyncset.done $0x0  }
0x12c: {  	s11 =	simm.s32 $0x0;
	[sflag:s30] =	ssyncadd.s32 $0xFFFFF000  }
0x12d: {  	v2 =	vld [tilespmem:s11+$0xC400];
	_ =	sdelay $0x1  }
0x12e: {  	v3 =	vld [tilespmem:s11+$0xD400];
	_ =	sdelay $0x1  }
0x12f: {  	v4 =	vld [tilespmem:s11+$0xE400]  }
0x130: {  	v5 =	vunpack.i.l.bf16.f32 v2  }
0x131: {  	v6 =	vld [tilespmem:s11+$0xF400];
	v2 =	vunpack.i.u.bf16.f32 v2;
	v5 =	vadd.f32 $0.0e+00, v5  }
0x132: {  	v7 =	vunpack.i.l.bf16.f32 v3;
	v2 =	vadd.f32 $0.0e+00, v2  }
0x133: {  	s9 =	simm.s32 $0x6420;
	v3 =	vunpack.i.u.bf16.f32 v3;
	v5 =	vadd.f32 v7, v5  }
0x134: {  	v59 =	vld [tilespmem:s9+$0xFFFFFFE0];
	v2 =	vadd.f32 v3, v2;
	v3 =	vunpack.i.l.bf16.f32 v4  }
0x135: {  	v8 =	vld [tilespmem:s9+$0xFFFFFFF0];
	v4 =	vunpack.i.u.bf16.f32 v4;
	v3 =	vadd.f32 v3, v5  }
0x136: {  	v2 =	vadd.f32 v4, v2;
	v4 =	vunpack.i.l.bf16.f32 v6  }
0x137: {  	v5 =	vunpack.i.u.bf16.f32 v6;
	v3 =	vadd.f32 v4, v3  }
0x138: {  	v2 =	vadd.f32 v5, v2  }
0x139: {  	v3 =	vadd.f32 v3, v59  }
0x13a: {  	v2 =	vadd.f32 v8, v2  }
0x13b: {  	[tilespmem:s9+$0xFFFFFFE0] =	vst v3  }
0x13c: {  	[tilespmem:s9+$0xFFFFFFF0] =	vst v2  }
0x13d: {  	v2 =	vld [tilespmem:s11+$0xC410];
	_ =	sdelay $0x1  }
0x13e: {  	v3 =	vld [tilespmem:s11+$0xD410];
	_ =	sdelay $0x1  }
0x13f: {  	v4 =	vld [tilespmem:s11+$0xE410]  }
0x140: {  	v5 =	vunpack.i.u.bf16.f32 v2;
	v2 =	vunpack.i.l.bf16.f32 v2  }
0x141: {  	v60 =	vld [tilespmem:s11+$0xF410];
	v2 =	vadd.f32 $0.0e+00, v2;
	v5 =	vadd.f32 $0.0e+00, v5  }
0x142: {  	v61 =	vunpack.i.u.bf16.f32 v3;
	v3 =	vunpack.i.l.bf16.f32 v3  }
0x143: {  	v63 =	vld [tilespmem:s9+$0x10];
	v2 =	vadd.f32 v3, v2;
	v3 =	vadd.f32 v61, v5  }
0x144: {  	v62 =	vunpack.i.u.bf16.f32 v4;
	v4 =	vunpack.i.l.bf16.f32 v4;
	v5 =	vld [tilespmem:s9+$0x0]  }
0x145: {  	v2 =	vadd.f32 v4, v2;
	v3 =	vadd.f32 v62, v3  }
0x146: {  	v6 =	vunpack.i.l.bf16.f32 v60;
	v4 =	vunpack.i.u.bf16.f32 v60  }
0x147: {  	v2 =	vadd.f32 v6, v2;
	v4 =	vadd.f32 v4, v3;
	_ =	sdelay $0x1  }
0x148: {  	s13 =	simm.s32 $0x6420;
	s11 =	simm.s32 $0x80;
	v3 =	vadd.f32 v2, v5;
	v2 =	vadd.f32 v63, v4  }
.LBB2_12:
0x149: {  	p0 =	sne.s32 s11, $0x3F80  }
0x14a: {  	s9 =	sadd.s32 $0x40, s9;
	s16 =	smov.u32 s11;
	s11 =	sadd.s32 $0x80, s11  }
0x14b: {  	[tilespmem:s13+$0x0] =	vst v3  }
0x14c: {  	s16 =	sshra.s32 s16, $0x2;
	[tilespmem:s13+$0x10] =	vst v2;
	s13 =	smov.u32 s9  }
0x14d: {  	v2 =	vld [tilespmem:s16+$0xC400];
	_ =	sdelay $0x1  }
0x14e: {  	v3 =	vld [tilespmem:s16+$0xD400];
	_ =	sdelay $0x1  }
0x14f: {  	v4 =	vld [tilespmem:s16+$0xE400]  }
0x150: {  	v5 =	vunpack.i.u.bf16.f32 v2;
	v2 =	vunpack.i.l.bf16.f32 v2  }
0x151: {  	v2 =	vadd.f32 $0.0e+00, v2;
	v5 =	vadd.f32 $0.0e+00, v5;
	v6 =	vld [tilespmem:s16+$0xF400]  }
0x152: {  	v7 =	vunpack.i.u.bf16.f32 v3;
	v3 =	vunpack.i.l.bf16.f32 v3  }
0x153: {  	v2 =	vadd.f32 v3, v2;
	v3 =	vadd.f32 v7, v5;
	v5 =	vld [tilespmem:s9+$0xFFFFFFF0]  }
0x154: {  	v7 =	vunpack.i.u.bf16.f32 v4;
	v4 =	vunpack.i.l.bf16.f32 v4;
	v8 =	vld [tilespmem:s9+$0xFFFFFFE0]  }
0x155: {  	v2 =	vadd.f32 v4, v2;
	v3 =	vadd.f32 v7, v3  }
0x156: {  	v4 =	vunpack.i.u.bf16.f32 v6;
	v6 =	vunpack.i.l.bf16.f32 v6  }
0x157: {  	v2 =	vadd.f32 v6, v2;
	v3 =	vadd.f32 v4, v3;
	_ =	sdelay $0x1  }
0x158: {  	v2 =	vadd.f32 v2, v8;
	v3 =	vadd.f32 v5, v3;
	_ =	sdelay $0x1  }
0x159: {  	[tilespmem:s9+$0xFFFFFFE0] =	vst v2  }
0x15a: {  	[tilespmem:s9+$0xFFFFFFF0] =	vst v3  }
0x15b: {  	v2 =	vld [tilespmem:s16+$0xC410]  }
0x15c: {  	v3 =	vld [tilespmem:s16+$0xD410]  }
0x15d: {  	v4 =	vld [tilespmem:s16+$0xE410]  }
0x15e: {  	v5 =	vld [tilespmem:s16+$0xF410];
	_ =	sdelay $0x1  }
0x15f: {  	v6 =	vunpack.i.u.bf16.f32 v2;
	v2 =	vunpack.i.l.bf16.f32 v2  }
0x160: {  	v2 =	vadd.f32 $0.0e+00, v2;
	v6 =	vadd.f32 $0.0e+00, v6  }
0x161: {  	v7 =	vunpack.i.u.bf16.f32 v3;
	v3 =	vunpack.i.l.bf16.f32 v3  }
0x162: {  	v2 =	vadd.f32 v3, v2;
	v3 =	vadd.f32 v7, v6;
	v6 =	vld [tilespmem:s9+$0x0]  }
0x163: {  	v7 =	vunpack.i.u.bf16.f32 v4;
	v4 =	vunpack.i.l.bf16.f32 v4;
	v8 =	vld [tilespmem:s9+$0x10]  }
.Ltmp5:
0x164: {  	v2 =	vadd.f32 v4, v2;
	v3 =	vadd.f32 v7, v3;
	(pc) =	sbr.rel @p0 .LBB2_12-.Ltmp5, $3  }
0x165: {  	v4 =	vunpack.i.u.bf16.f32 v5;
	v5 =	vunpack.i.l.bf16.f32 v5  }
0x166: {  	v2 =	vadd.f32 v5, v2;
	v4 =	vadd.f32 v4, v3;
	_ =	sdelay $0x1  }
0x167: {  	v3 =	vadd.f32 v2, v6;
	v2 =	vadd.f32 v8, v4  }
0x168: {  	_ = 	snop  }
0x169: {  	[tilespmem:s13+$0x0] =	vst v3  }
0x16a: {  	[tilespmem:s13+$0x10] =	vst v2  }
0x16b: {  	v2 =	vld [tilespmem:$0x10D00]  }
0x16c: {  	s9 =	simm.s32 $0x0;
	s11 =	simm.s32 $0x0;
	v3 =	vld [tilespmem:$0x10D10]  }
.LBB2_14:
0x16d: {  	s13 =	sshll.u32 s11, $0x4  }
0x16e: {  	v4 =	vor.u32 s13, v1  }
0x16f: {  	v6 =	vshll.u32 v4, $0x6;
	_ =	sdelay $0x2  }
0x170: {  	s13 =	simm.s32 $0x10900  }
0x171: {  	v10 =	vld [tilespmem:s13+$0x0]  }
0x172: {  	v7 =	vor.u32 $0x1, v6;
	v5 =	vld.idx.msk [tilespmem:v6+s31+$0x0], $0xffff  }
0x173: {  	s16 =	simm.s32 $0x1;
	v8 =	vimm.f32 $0.0e+00;
	v9 =	vld [tilespmem:s13+$0xFFFFFC00];
	v11 =	vadd.s32 s9, v7;
	v6 =	vimm.f32 $0.0e+00  }
.LBB2_15:
0x174: {  	_ = 	snop  }
0x175: {  	p0 =	sne.s32 s16, $0x3F  }
.Ltmp6:
0x176: {  	_ = 	snop;
	(pc) =	sbr.rel @p0 .LBB2_15-.Ltmp6, $4  }
0x177: {  	v13 =	vmov v5  }
0x178: {  	s13 =	sadd.s32 $0x10, s13;
	v12 =	vmul.f32 v10, v5;
	v5 =	vld.idx.msk [tilespmem:v11+s31+$0x0], $0xffff;
	v13 =	vmul.f32 v9, v13  }
0x179: {  	s18 =	smov.u32 s16;
	v10 =	vld [tilespmem:s13+$0x0]  }
0x17a: {  	s16 =	sadd.s32 $0x1, s16;
	v11 =	vadd.s32 s18, v7;
	v9 =	vld [tilespmem:s13+$0xFFFFFC00];
	v6 =	vadd.f32 v12, v6;
	v8 =	vadd.f32 v13, v8  }
0x17b: {  	_ =	sdelay $0x3  }
0x17c: {  	v7 =	vmul.f32 v10, v5;
	v5 =	vmul.f32 v9, v5;
	_ =	sdelay $0x1  }
0x17d: {  	v6 =	vadd.f32 v7, v6;
	v5 =	vadd.f32 v5, v8;
	_ =	sdelay $0x1  }
0x17e: {  	v6 =	vadd.f32 v6, v3;
	v5 =	vadd.f32 v5, v2;
	_ =	sdelay $0x1  }
0x17f: {  	v60 =	vmax.f32 v5, v6  }
0x180: {  	v5 =	vsub.f32 v5, v60  }
0x181: {  	v6 =	vsub.f32 v6, v60  }
0x182: {  	v5 =	vmul.f32 $1.442695020e+00, v5  }
0x183: {  	v6 =	vmul.f32 $1.442695020e+00, v6  }
0x184: {  	(erf) = vpow2.f32 v5  }
0x185: {  	(erf) = vpow2.f32 v6;
	_ =	sdelay $0x7  }
0x186: {  	v5 =	vpop (erf)  }
0x187: {  	v6 =	vpop (erf)  }
0x188: {  	v61 =	vadd.f32 v6, v5;
	_ =	sdelay $0x1  }
0x189: {  	(erf) = vrcp.f32 v61;
	_ =	sdelay $0x6  }
0x18a: {  	v4 =	vshll.u32 v4, $0x1;
	s11 =	sadd.s32 $0x1, s11  }
0x18b: {  	v62 =	vor.u32 $0x1, v4;
	p0 =	sne.s32 s11, $0x8  }
.Ltmp7:
0x18c: {  	v63 =	vpop (erf);
	(pc) =	sbr.rel @p0 .LBB2_14-.Ltmp7, $4  }
0x18d: {  	v5 =	vmul.f32 v63, v5  }
0x18e: {  	v6 =	vmul.f32 v63, v6  }
0x18f: {  	[tilespmem:v4+s1+$0x0] =	vst.idx.msk $0xffff, v5  }
0x190: {  	[tilespmem:v62+s1+$0x0] =	vst.idx.msk $0xffff, v6  }
0x191: {  	s0 =	sadd.s32 $0x1, s0  }
0x192: {  	p0 =	sne.s32 s0, s8  }
.Ltmp8:
0x193: {  	_ = 	snop;
	(pc) =	sbr.rel @p0 .LBB2_1-.Ltmp8, $4  }
0x194: {  	[hbm4b:s7+s2] =	stream.linear.scatter [tilespmem:s1], [sflag:$0x3], $0x100, $0x38;
	[tilespmem:$0x10D20] =	vst v63  }
0x195: {  	_ =	swait.ge [sflag:s10], $0x100  }
0x196: {  	[sflag:s10] =	ssyncset.done $0x0  }
0x197: {  	[sflag:s10] =	ssyncadd.s32 $0xFFFFFF00  }
0x198: {  	_ =	sfence.sel $0x180000  }
0x199: {  	[bflag:$0x0] =	sbarrier.arrive $0xFFFF  }
0x19a: {  	_ =	strace $0x9000004D  }
0x19b: {  	s0 =	stileid.u32;
	[bflag:$0x2] =	sbarrier.arrive $0xFFFF  }
0x19c: {  	p0 =	sne.s32 s0, $0x0;
	s0 =	rddreg [dreg:$0x2]  }
0x19d: {  	s0 =	sadd.s32 @!p0 $0x100000, s0  }
0x19e: {  	[sflag:s0] =	ssyncadd.tile.s32 @!p0 $0x1;
	_ =	shalt  }
.Lfunc_end2:
_tile_overlayer_lowered:
.L_overlay_start_2:
0x19f: {  	(tag) =	ssettag $0x2  }
0x1a0: {  	s0 =	rddreg [dreg:$0x0];
	s2 =	stileid.u32  }
0x1a1: {  	s1 =	rddreg [dreg:$0x1];
	p0 =	sne.s32 s2, $0x0  }
0x1a2: {  	s3 =	rddreg [dreg:$0x2];
	[bflag:$0x3] =	sbarrier.arrive $0xFFFF;
	s2 =	simm.s32 @!p0 $0x1C03  }
0x1a3: {  	[timem:s3], [sflag:s2] =	dma.local @!p0 [hbm:s0], s1  }
0x1a4: {  	s0 =	simm.s32 @!p0 $0x3  }
0x1a5: {  	_ =	swait.ge @!p0 [sflag:s0], s1  }
0x1a6: {  	s1 =	ssub.s32 @!p0 $0x0, s1;
	[sflag:s0] =	ssyncset.done @!p0 $0x0  }
0x1a7: {  	[sflag:s0] =	ssyncadd.s32 @!p0 s1  }
0x1a8: {  	[bflag:$0x3] =	sbarrier.arrive $0xFFFF  }
0x1a9: {  	_ =	shalt  }

// kernel: sparse-core-data-format-call.1.cloned.1.call-start
scs
called_computation.1_lowered:
.L_overlay_start_0:
0x0: {  	s1 =	sld [smem:$0x3FD9]  }
0x1: {  	s2 =	sld [smem:$0x3FFE];
	_ =	sdelay $0x1  }
0x2: {  	s3 =	srdreg.scid  }
0x3: {  	s0 =	sand.u32 $0x1, s3  }
0x4: {  	s17 =	sshll.u32 s0, $0xA;
	s1 =	sadd.s32 s2, s1  }
0x5: {  	s1 =	sadd.s32 s1, s17  }
0x6: {  	[smem:$0x3FC4] =	sst s1  }
0x7: {  	_ = 	snop  }
0x8: {  	(tm) =	ssettm $0x1  }
0x9: {  	s18 =	sld [smem:$0x3FFB];
	_ =	sdelay $0x3  }
0xa: {  	_ =	strace s18  }
0xb: {  	s1 =	sld [smem:$0x3FFC];
	_ =	sdelay $0x3  }
0xc: {  	_ =	strace s1  }
0xd: {  	s1 =	sld [smem:$0x3FFD];
	_ =	sdelay $0x3  }
0xe: {  	_ =	strace s1  }
0xf: {  	_ =	strace $0x8FFFFFFF  }
0x10: {  	s19 =	sld [smem:$0x3FDB];
	_ =	sdelay $0x1  }
0x11: {  	s20 =	simm.s32 $_scs_section_size  }
0x12: {  	s4 =	simm.s32 $_size__tile_overlayer_lowered;
	s5 =	simm.s32 $_tile_overlayer_lowered  }
0x13: {  	s23 =	simm.s32 $0x1BFF;
	s22 =	sshll.u32 s5, $0x1;
	s1 =	sadd.s32 s20, s19  }
0x14: {  	s6 =	simm.s32 $0x0;
	s21 =	sshll.u32 s4, $0x1;
	s4 =	sadd.s32 s22, s1  }
0x15: {  	[timem:s6], [sflag:s23] =	dma.local [hbm:s4], s21  }
0x16: {  	_ =	swait.ge [sflag:s23], s21  }
0x17: {  	s2 =	ssub.s32 $0x0, s21;
	[sflag:s23] =	ssyncset.done $0x0  }
0x18: {  	[sflag:s23] =	ssyncadd.s32 s2;
	_ =	sdelay $0x1  }
0x19: {  	s24 =	simm.s32 $0x1B8B  }
0x1a: {  	_ =	swait.ge [sflag:s24], $0x1  }
0x1b: {  	[sflag:s24] =	ssyncset.done $0x0  }
0x1c: {  	s26 =	simm.s32 $0x1B8E;
	s25 =	sld [smem:$0x3FFE];
	[sflag:s24] =	ssyncadd.s32 $0xFFFFFFFF  }
0x1d: {  	s27 =	simm.s32 $execute0_lowered;
	[smem:$0x3FD2] =	sst s26  }
0x1e: {  	s4 =	sshll.u32 s27, $0x1;
	_ =	strace $0x80000046;
	[dreg:$0x1] =	wrdreg $0xFFFFFFFF  }
0x1f: {  	s28 =	simm.s32 $_size_execute0_lowered;
	s1 =	sadd.s32 s1, s4;
	[dreg:$0x0] =	wrdreg $0x0  }
0x20: {  	s4 =	sshll.u32 s28, $0x1;
	[dreg:$0x2] =	wrdreg s1  }
0x21: {  	[dreg:$0x3] =	wrdreg s4  }
0x22: {  	[dreg:$0x4] =	wrdreg $0xC0  }
0x23: {  	_ =	task [dreg:s6], $0x5FFFF  }
0x24: {  	[dreg:$0x1] =	wrdreg $0xFFFFFFFF  }
0x25: {  	[dreg:$0x0] =	wrdreg $0x60  }
0x26: {  	[dreg:$0x2] =	wrdreg s25  }
0x27: {  	[dreg:$0x3] =	wrdreg $0x9  }
0x28: {  	_ =	task.clear_ibuf [dreg:s6], $0x4FFFF;
	_ =	strace $0x90000046  }
0x29: {  	s29 =	simm.s32 $0x9;
	_ =	strace $0x80000048  }
0x2a: {  	_ =	swait.ge [sflag:s29], $0x1  }
0x2b: {  	[sflag:s29] =	ssyncadd.s32 $0xFFFFFFFF  }
0x2c: {  	_ =	strace $0x90000048  }
0x2d: {  	_ =	sfence  }
0x2e: {  	s30 =	sld [smem:$0x0];
	_ =	sdelay $0x2  }
0x2f: {  	s31 =	sshll.u32 s3, $0xD;
	s3 =	sshrl.u32 s3, $0x2  }
0x30: {  	s2 =	sand.u32 $0x4000, s31;
	s1 =	sadd.s32 s3, s30  }
0x31: {  	s0 =	sor.u32 s2, s0;
	s1 =	sshll.u32 s1, $0x11  }
0x32: {  	s0 =	sor.u32 s1, s0  }
0x33: {  	s0 =	sadd.s32 $0x8F2B, s0  }
0x34: {  	[sflag:s0] =	ssyncadd.remote.s32 $0x1  }
0x35: {  	_ =	sfence.sel $0xFFFF  }
0x36: {  	[dreg:$0x0] =	wrdreg $0xFFFFFFFF;
	(pc) =	sbr.abs _section_cstart, $3  }
0x37: {  	[dreg:$0x1] =	wrdreg $0xFFFFFFFF  }
0x38: {  	_ =	task.clear_ibuf [dreg:s6], $0x2FFFF;
	_ =	strace $0x9FFFFFFF  }
0x39: {  	(tm) =	ssettm $0x7FFFFFFF  }
tec
execute0_lowered:
.L_overlay_start_1:
0x0: {  	(tag) =	ssettag $0x1  }
0x1: {  	s0 =	srdreg.scid  }
0x2: {  	s5 =	rddreg [dreg:$0x0];
	s1 =	stileid.u32;
	s4 =	simm.s32 $0x1  }
0x3: {  	s6 =	simm.s32 $0x2;
	s15 =	simm.s32 $0x0;
	p0 =	por $0x0, $0x0  }
0x4: {  	s8 =	simm.s32 $0x80;
	s14 =	simm.s32 $0x0;
	s2 =	sshll.u32 s0, $0x4  }
0x5: {  	s9 =	simm.s32 $0x0;
	s10 =	simm.s32 $0x0;
	s2 =	sand.u32 $0x10, s2  }
.Ltmp0:
0x6: {  	s12 =	simm.s32 $0x0;
	s3 =	sor.u32 s1, s2;
	(pc) =	sbr.rel .LBB1_1-.Ltmp0, $4  }
0x7: {  	s0 =	rddreg [dreg:$0x1];
	_ =	strace $0x80000047;
	s3 =	sshll.u32 s3, $0x7  }
0x8: {  	s13 =	simm.s32 $0x0;
	[sflag:s4] =	ssyncpa.u1 $0x0;
	s7 =	ssub.s32 $0xF4200, s3  }
0x9: {  	s2 =	sadd.s32 $0x1400, s5;
	[sflag:s6] =	ssyncpa.u1 $0x0;
	s6 =	sshrl.u32 s7, $0xC  }
0xa: {  	s5 =	sadd.s32 $0x3D1E00, s5;
	s11 =	smov.u32 s3;
	s7 =	sadd.s32 $0x2, s6  }
.LBB1_5:
0xb: {  	p1 =	slt.u32 s13, $0x2  }
0xc: {  	s17 =	smov.u32 s15;
	p2 =	sgt.s32 @!p1 s15, $0xF41C0;
	s16 =	sshra.s32 @!p1 s15, $0x1F  }
0xd: {  	p3 =	sgt.s32 @!p1 s14, $0x40;
	s18 =	sshra.s32 @!p1 s14, $0x1F;
	p2 =	por !p2, p1  }
0xe: {  	s15 =	sand.u32 @!p1 s16, s15;
	p3 =	por !p3, p1;
	s16 =	smov.u32 s14  }
0xf: {  	s14 =	sand.u32 @!p1 s18, s14;
	s17 =	simm.s32 @p2 $0xF41C0;
	s16 =	simm.s32 @p3 $0x40  }
0x10: {  	s15 =	ssub.s32 @!p1 s17, s15;
	s14 =	ssub.s32 @!p1 s16, s14  }
0x11: {  	s18 =	smov.u32 s12;
	s16 =	sadd.s32 @!p1 $0xFFF0BE40, s15;
	s17 =	sadd.s32 @!p1 $0xFFFFFFC0, s14  }
0x12: {  	s15 =	ssub.s32 @!p1 $0xF4240, s15;
	p2 =	sgt.s32 @!p1 s16, $0x7F;
	p3 =	sgt.s32 @!p1 s17, $0x3F  }
0x13: {  	s14 =	ssub.s32 @!p1 $0x80, s14;
	p2 =	por !p2, p1;
	p3 =	por !p3, p1  }
0x14: {  	s16 =	sadd.s32 $0x1000, s11;
	s15 =	simm.s32 @!p2 $0x0;
	s14 =	simm.s32 @!p3 $0x0  }
0x15: {  	p2 =	sgt.s32 s16, $0xF423F;
	s14 =	smul.u32 @!p1 s14, s15;
	s15 =	sadd.s32 $0x40, s12  }
0x16: {  	s18 =	smov.u32 @p2 s15  }
0x17: {  	s16 =	smov.u32 @p2 s3;
	p2 =	sgt.s32 s18, $0x3F  }
0x18: {  	p0 =	por !p0, !p0;
	s18 =	simm.s32 @p2 $0x0;
	p2 =	sne.s32 s13, s7  }
.Ltmp1:
0x19: {  	s17 =	simm.s32 @!p1 $0x2;
	s14 =	sshrl.u32 @!p1 s14, $0x1;
	(pc) =	sbr.rel @!p2 .LBB1_6-.Ltmp1, $4  }
0x1a: {  	s15 =	smov.u32 s9;
	s9 =	smov.u32 s11;
	s14 =	sand.u32 @!p1 $0x3FFFFFFF, s14  }
0x1b: {  	s11 =	smov.u32 s16;
	s13 =	sadd.s32 $0x1, s13;
	_ =	swait.ge @!p1 [sflag:s17], s14  }
0x1c: {  	s19 =	ssub.s32 @!p1 $0x0, s14;
	s14 =	smov.u32 s10;
	[sflag:s17] =	ssyncset.done @!p1 $0x0  }
0x1d: {  	s10 =	smov.u32 s12;
	s12 =	smov.u32 s18;
	[sflag:s17] =	ssyncadd.s32 @!p1 s19  }
.LBB1_1:
0x1e: {  	p1 =	sgt.u32 s13, s6  }
0x1f: {  	s16 =	sshrl.u32 @!p1 s12, $0x4  }
0x20: {  	s17 =	sshll.u32 @!p1 s11, $0x4;
	s16 =	smul.u32 @!p1 $0xF42800, s16  }
0x21: {  	s18 =	sshll.u32 @!p1 s12, $0x7;
	s17 =	sand.u32 @!p1 $0xFFFFF800, s17  }
0x22: {  	s16 =	sadd.s32 @!p1 s16, s17;
	s17 =	sand.u32 @!p1 $0x700, s18;
	s18 =	sshll.u32 @!p1 s11, $0x1  }
0x23: {  	s16 =	sor.u32 @!p1 s17, s16;
	s17 =	sand.u32 @!p1 $0xFE, s18  }
0x24: {  	s18 =	sand.u32 @!p1 $0x1, s12;
	s16 =	sor.u32 @!p1 s17, s16  }
0x25: {  	s17 =	sor.u32 @!p1 s18, s16  }
0x26: {  	s18 =	smulhi.u32 @!p1 $0x218D6287, s17;
	_ =	sdelay $0x1  }
0x27: {  	s16 =	smulhi.u32 @!p1 $0x218D6287, s16;
	s18 =	sshrl.u32 @!p1 s18, $0x11  }
0x28: {  	s18 =	smul.u32 @!p1 $0xF4280, s18  }
0x29: {  	s16 =	sshrl.u32 @!p1 s16, $0x11  }
0x2a: {  	s16 =	sand.u32 @!p1 $0x3F, s16;
	s17 =	ssub.s32 @!p1 s17, s18  }
0x2b: {  	s16 =	smul.u32 @!p1 $0xF428, s16;
	s18 =	sshrl.u32 @!p1 s17, $0x4  }
0x2c: {  	s19 =	sxor.u32 @!p1 $0xFFFFFFFF, s13;
	s17 =	sshll.u32 @!p1 s17, $0x11;
	s18 =	sadd.s32 @!p1 s2, s18  }
0x2d: {  	s17 =	sand.u32 @!p1 $0x1C0000, s17;
	s16 =	sadd.s32 @!p1 s16, s18;
	s18 =	sshll.u32 @!p1 s19, $0xC  }
0x2e: {  	s17 =	sor.u32 @!p1 $0x400, s17;
	s19 =	simm.s32 @!p1 $0x7A1400;
	s18 =	sand.u32 @!p1 $0x1000, s18  }
0x2f: {  	[tilespmem:s18], [sflag:$0x1] =	stream.strided.gather @!p1 [hbm4b:s16+s17], $0x1000, s19, s17, $0x38;
	[tilespmem:$0x4080] =	vst v63  }
0x30: {  	p1 =	seq.s32 s13, $0x0  }
0x31: {  	p2 =	sge.u32 @!p1 s13, s7  }
0x32: {  	p1 =	por p1, p2  }
.Ltmp2:
0x33: {  	_ = 	snop;
	(pc) =	sbr.rel @p1 .LBB1_5-.Ltmp2, $1  }
0x34: {  	_ =	sdelay $0x3  }
0x35: {  	s16 =	simm.s32 $0x1  }
0x36: {  	_ =	swait.ge [sflag:s4], $0x1000;
	s16 =	simm.s32 @!p0 $0x0  }
0x37: {  	[sflag:s4] =	ssyncset.done $0x0;
	s16 =	sshll.u32 s16, $0xC  }
0x38: {  	[sflag:s4] =	ssyncadd.s32 $0xFFFFF000;
	s16 =	sor.u32 $0x40, s16  }
0x39: {  	v0 =	vld [tilespmem:s16+$0x20]  }
0x3a: {  	v1 =	vld [tilespmem:s16+$0x30]  }
0x3b: {  	v2 =	vld [tilespmem:s16+$0xFFFFFFD0]  }
0x3c: {  	v5 =	vld [tilespmem:s16+$0x0]  }
0x3d: {  	v6 =	vld [tilespmem:s16+$0x10]  }
0x3e: {  	s17 =	sand.u32 $0x1, s13;
	v3 =	vld [tilespmem:s16+$0xFFFFFFE0]  }
0x3f: {  	s17 =	smul.u32 $0x4100, s17;
	v4 =	vld [tilespmem:s16+$0xFFFFFFF0]  }
0x40: {  	s18 =	simm.s32 $0x0;
	v1 =	vperm.xlane.i2c.b16 v1  }
0x41: {  	s19 =	sand.u32 $0x3C, s18;
	s17 =	sshrl.u32 s17, $0x2;
	v8 =	vld [tilespmem:s16+$0xFFFFFFC0];
	s20 =	sadd.s32 $0x80, s16;
	v7 =	vperm.xlane.i2c.b16 v0;
	v0 =	vperm.xlane.i2c.b16 v2  }
0x42: {  	s30 =	sand.u32 $0x40, s18;
	s31 =	sshrl.u32 s19, $0x1;
	s16 =	sor.u32 $0x2000, s17;
	v11 =	vld [tilespmem:s20+$0x30];
	v10 =	vperm.xlane.i2c.b16 v5;
	v13 =	vperm.xlane.i2c.b16 v6  }
0x43: {  	s17 =	sshrl.u32 s30, $0x1;
	s18 =	sadd.s32 s31, s16;
	v2 =	vld [tilespmem:s20+$0x20];
	v3 =	vperm.xlane.i2c.b16 v3;
	v9 =	vcombine.low v7, v1  }
0x44: {  	v12 =	vld [tilespmem:s20+$0xFFFFFFD0];
	s17 =	sadd.s32 s17, s18;
	v4 =	vperm.xlane.i2c.b16 v4;
	v14 =	vcombine.low v10, v13  }
0x45: {  	v1 =	vcombine.high v7, v1;
	v7 =	vld [tilespmem:s20+$0xFFFFFFE0];
	[tilespmem:s17+$0xC30 ss:$0x41] =	vst.msk $0xffff, v9  }
0x46: {  	v6 =	vld [tilespmem:s20+$0xFFFFFFF0];
	v5 =	vperm.xlane.i2c.b16 v8;
	v9 =	vcombine.low v3, v4;
	[tilespmem:s17+$0x820 ss:$0x41] =	vst.msk $0xffff, v14  }
0x47: {  	s18 =	simm.s32 $0x4;
	v8 =	vperm.xlane.i2c.b16 v11;
	[tilespmem:s17+$0xC31 ss:$0x41] =	vst.msk $0xffff, v1;
	v1 =	vcombine.high v3, v4;
	v4 =	vld [tilespmem:s20+$0x0]  }
0x48: {  	s19 =	simm.s32 $0x2;
	s22 =	sand.u32 $0x3C, s18;
	v10 =	vcombine.high v10, v13;
	v3 =	vld [tilespmem:s20+$0x10];
	[tilespmem:s17+$0x410 ss:$0x41] =	vst.msk $0xffff, v9;
	v9 =	vperm.xlane.i2c.b16 v2  }
0x49: {  	s21 =	sand.u32 $0x40, s18;
	s22 =	sshrl.u32 s22, $0x1;
	v11 =	vcombine.low v5, v0;
	v2 =	vld [tilespmem:s20+$0xFFFFFFC0];
	s20 =	sadd.s32 $0x80, s20;
	[tilespmem:s17+$0x411 ss:$0x41] =	vst.msk $0xffff, v1;
	v1 =	vperm.xlane.i2c.b16 v12  }
.LBB1_3:
0x4a: {  	v12 =	vld [tilespmem:s20+$0x20];
	s22 =	sadd.s32 s22, s16;
	s21 =	sshrl.u32 s21, $0x1;
	v13 =	vperm.xlane.i2c.b16 v7;
	v7 =	vcombine.low v9, v8;
	[tilespmem:s17+$0x821 ss:$0x41] =	vst.msk $0xffff, v10  }
0x4b: {  	s19 =	sadd.s32 $0x2, s19;
	v14 =	vld [tilespmem:s20+$0x30];
	s21 =	sadd.s32 s21, s22;
	v10 =	vperm.xlane.i2c.b16 v6;
	v6 =	vcombine.high v9, v8;
	[tilespmem:s17+$0x0 ss:$0x41] =	vst.msk $0xffff, v11  }
0x4c: {  	p1 =	slt.u32 s19, $0x3E;
	v11 =	vld [tilespmem:s20+$0xFFFFFFD0];
	v8 =	vperm.xlane.i2c.b16 v4;
	[tilespmem:s21+$0xC30 ss:$0x41] =	vst.msk $0xffff, v7;
	v4 =	vcombine.high v5, v0;
	v0 =	vmov v1  }
.Ltmp3:
0x4d: {  	v7 =	vld [tilespmem:s20+$0xFFFFFFE0];
	v1 =	vcombine.low v13, v10;
	v3 =	vperm.xlane.i2c.b16 v3;
	[tilespmem:s21+$0xC31 ss:$0x41] =	vst.msk $0xffff, v6;
	(pc) =	sbr.rel @p1 .LBB1_3-.Ltmp3, $4  }
0x4e: {  	v6 =	vld [tilespmem:s20+$0xFFFFFFF0];
	v5 =	vperm.xlane.i2c.b16 v2;
	v2 =	vcombine.high v13, v10;
	[tilespmem:s17+$0x1 ss:$0x41] =	vst.msk $0xffff, v4;
	s17 =	smov.u32 s21  }
0x4f: {  	s18 =	sadd.s32 $0x4, s18;
	v4 =	vld [tilespmem:s20+$0x0];
	[tilespmem:s17+$0x410 ss:$0x41] =	vst.msk $0xffff, v1;
	v13 =	vcombine.low v8, v3;
	v10 =	vcombine.high v8, v3  }
0x50: {  	s22 =	sand.u32 $0x3C, s18;
	v9 =	vperm.xlane.i2c.b16 v12;
	v3 =	vld [tilespmem:s20+$0x10];
	v8 =	vperm.xlane.i2c.b16 v14;
	[tilespmem:s17+$0x411 ss:$0x41] =	vst.msk $0xffff, v2  }
0x51: {  	s22 =	sshrl.u32 s22, $0x1;
	s21 =	sand.u32 $0x40, s18;
	v2 =	vld [tilespmem:s20+$0xFFFFFFC0];
	v1 =	vperm.xlane.i2c.b16 v11;
	s20 =	sadd.s32 $0x80, s20;
	v11 =	vcombine.low v5, v0;
	[tilespmem:s17+$0x820 ss:$0x41] =	vst.msk $0xffff, v13  }
0x52: {  	s18 =	sadd.s32 s22, s16;
	s19 =	sshll.u32 s9, $0x7;
	s20 =	sshll.u32 s10, $0x4  }
0x53: {  	s21 =	sshrl.u32 s21, $0x1;
	s24 =	sshll.u32 s10, $0x1;
	p1 =	sgt.s32 s9, $0xF41C0  }
0x54: {  	s22 =	smov.u32 s9;
	s26 =	sshra.s32 s9, $0x1F;
	s23 =	sand.u32 $0xFFFFF800, s19  }
0x55: {  	s20 =	sand.u32 $0xFFFFF800, s20;
	s19 =	sand.u32 $0x700, s19;
	s25 =	sand.u32 $0x80, s24  }
0x56: {  	s18 =	sadd.s32 s21, s18;
	s22 =	simm.s32 @!p1 $0xF41C0;
	p1 =	sgt.s32 s10, $0x40  }
0x57: {  	s21 =	smov.u32 s10;
	s20 =	sadd.s32 s20, s23;
	s23 =	sshra.s32 s10, $0x1F  }
0x58: {  	s21 =	simm.s32 @!p1 $0x40;
	s19 =	sor.u32 s19, s20;
	s20 =	sand.u32 s26, s9  }
0x59: {  	v7 =	vperm.xlane.i2c.b16 v7;
	[tilespmem:s17+$0x821 ss:$0x41] =	vst.msk $0xffff, v10;
	v0 =	vcombine.high v5, v0;
	s23 =	sand.u32 s23, s10;
	s19 =	sor.u32 s25, s19;
	s20 =	ssub.s32 s22, s20  }
0x5a: {  	v57 =	vcombine.low v9, v8;
	v6 =	vperm.xlane.i2c.b16 v6;
	[tilespmem:s17+$0x0 ss:$0x41] =	vst.msk $0xffff, v11;
	s21 =	ssub.s32 s21, s23;
	s19 =	sshrl.u32 s19, $0x7;
	s22 =	sadd.s32 $0xFFF0BE40, s20  }
0x5b: {  	v58 =	vcombine.high v9, v8;
	v4 =	vperm.xlane.i2c.b16 v4;
	[tilespmem:s17+$0x1 ss:$0x41] =	vst.msk $0xffff, v0;
	s23 =	sadd.s32 $0xFFFFFFC0, s21;
	s20 =	ssub.s32 $0xF4240, s20;
	s21 =	ssub.s32 $0x80, s21  }
0x5c: {  	[tilespmem:s18+$0xC30 ss:$0x41] =	vst.msk $0xffff, v57;
	v59 =	vcombine.low v7, v6;
	v3 =	vperm.xlane.i2c.b16 v3;
	s27 =	smulhi.u32 $0x218DEF5, s19;
	p1 =	sgt.s32 s22, $0x7F;
	p2 =	sgt.s32 s23, $0x3F  }
0x5d: {  	[tilespmem:s18+$0xC31 ss:$0x41] =	vst.msk $0xffff, v58;
	v60 =	vcombine.high v7, v6;
	s20 =	simm.s32 @p1 $0x0;
	s21 =	simm.s32 @p2 $0x0  }
0x5e: {  	v2 =	vperm.xlane.i2c.b16 v2;
	[tilespmem:s18+$0x410 ss:$0x41] =	vst.msk $0xffff, v59;
	v61 =	vcombine.low v4, v3;
	s17 =	sshrl.u32 s27, $0xD;
	s20 =	smul.u32 s21, s20  }
0x5f: {  	v3 =	vcombine.high v4, v3;
	[tilespmem:s18+$0x411 ss:$0x41] =	vst.msk $0xffff, v60;
	s17 =	smul.u32 $0xF4240, s17  }
.Ltmp4:
0x60: {  	s28 =	sshrl.u32 s10, $0x3;
	s29 =	sand.u32 $0x7, s10;
	v62 =	vcombine.low v2, v1;
	[tilespmem:s18+$0x820 ss:$0x41] =	vst.msk $0xffff, v61;
	(pc) =	sbr.rel .LBB1_5-.Ltmp4, $4  }
0x61: {  	v63 =	vcombine.high v2, v1;
	[tilespmem:s18+$0x821 ss:$0x41] =	vst.msk $0xffff, v3;
	s21 =	sshll.u32 s29, $0x12;
	s17 =	ssub.s32 s19, s17;
	s19 =	sand.u32 $0x7, s28  }
0x62: {  	[tilespmem:s18+$0x0 ss:$0x41] =	vst.msk $0xffff, v62;
	s20 =	sshrl.u32 s20, $0x1;
	s17 =	sshll.u32 s17, $0x3;
	s19 =	sadd.s32 s5, s19  }
0x63: {  	[tilespmem:s18+$0x1 ss:$0x41] =	vst.msk $0xffff, v63;
	s31 =	sor.u32 $0x40, s21;
	s30 =	sand.u32 $0x3FFFFFFF, s20;
	s17 =	sadd.s32 s17, s19  }
0x64: {  	[hbm4b:s17+s31] =	stream.strided.scatter [tilespmem:s16], [sflag:$0x2], s30, s8, s31, $0x18;
	[tilespmem:$0x4080] =	vst v63  }
.LBB1_6:
0x65: {  	_ =	sfence.sel $0x180000  }
0x66: {  	s2 =	simm.s32 $0x1;
	[bflag:$0x0] =	sbarrier.arrive $0xFFFF  }
0x67: {  	s31 =	simm.s32 $0x2;
	[sflag:s2] =	ssyncpa.u1 $0x1  }
0x68: {  	[sflag:s31] =	ssyncpa.u1 $0x1  }
0x69: {  	p0 =	sne.s32 s1, $0x0;
	_ =	strace $0x90000047  }
0x6a: {  	s0 =	sadd.s32 @!p0 $0x100000, s0;
	[bflag:$0x2] =	sbarrier.arrive $0xFFFF  }
0x6b: {  	[sflag:s0] =	ssyncadd.tile.s32 @!p0 $0x1;
	_ =	shalt  }
.Lfunc_end1:
_tile_overlayer_lowered:
.L_overlay_start_2:
0x6c: {  	(tag) =	ssettag $0x2  }
0x6d: {  	s0 =	rddreg [dreg:$0x0];
	s2 =	stileid.u32  }
0x6e: {  	s1 =	rddreg [dreg:$0x1];
	p0 =	sne.s32 s2, $0x0  }
0x6f: {  	s3 =	rddreg [dreg:$0x2];
	[bflag:$0x3] =	sbarrier.arrive $0xFFFF;
	s2 =	simm.s32 @!p0 $0x1C01  }
0x70: {  	[timem:s3], [sflag:s2] =	dma.local @!p0 [hbm:s0], s1  }
0x71: {  	s0 =	simm.s32 @!p0 $0x1  }
0x72: {  	_ =	swait.ge @!p0 [sflag:s0], s1  }
0x73: {  	s1 =	ssub.s32 @!p0 $0x0, s1;
	[sflag:s0] =	ssyncset.done @!p0 $0x0  }
0x74: {  	[sflag:s0] =	ssyncadd.s32 @!p0 s1  }
0x75: {  	[bflag:$0x3] =	sbarrier.arrive $0xFFFF  }
0x76: {  	_ =	shalt  }

// kernel: sparse-core-data-format-call.cloned.1.call-start
scs
called_computation_lowered:
.L_overlay_start_0:
0x0: {  	s1 =	sld [smem:$0x3FD9]  }
0x1: {  	s2 =	sld [smem:$0x3FFE];
	_ =	sdelay $0x1  }
0x2: {  	s3 =	srdreg.scid  }
0x3: {  	s0 =	sand.u32 $0x1, s3  }
0x4: {  	s17 =	sshll.u32 s0, $0xA;
	s1 =	sadd.s32 s2, s1  }
0x5: {  	s1 =	sadd.s32 s1, s17  }
0x6: {  	[smem:$0x3FC4] =	sst s1  }
0x7: {  	_ = 	snop  }
0x8: {  	(tm) =	ssettm $0x1  }
0x9: {  	s18 =	sld [smem:$0x3FFB];
	_ =	sdelay $0x3  }
0xa: {  	_ =	strace s18  }
0xb: {  	s1 =	sld [smem:$0x3FFC];
	_ =	sdelay $0x3  }
0xc: {  	_ =	strace s1  }
0xd: {  	s1 =	sld [smem:$0x3FFD];
	_ =	sdelay $0x3  }
0xe: {  	_ =	strace s1  }
0xf: {  	_ =	strace $0x8FFFFFFF  }
0x10: {  	s19 =	sld [smem:$0x3FDB];
	_ =	sdelay $0x1  }
0x11: {  	s20 =	simm.s32 $_scs_section_size  }
0x12: {  	s4 =	simm.s32 $_size__tile_overlayer_lowered;
	s5 =	simm.s32 $_tile_overlayer_lowered  }
0x13: {  	s23 =	simm.s32 $0x1BFF;
	s22 =	sshll.u32 s5, $0x1;
	s1 =	sadd.s32 s20, s19  }
0x14: {  	s6 =	simm.s32 $0x0;
	s21 =	sshll.u32 s4, $0x1;
	s4 =	sadd.s32 s22, s1  }
0x15: {  	[timem:s6], [sflag:s23] =	dma.local [hbm:s4], s21  }
0x16: {  	_ =	swait.ge [sflag:s23], s21  }
0x17: {  	s2 =	ssub.s32 $0x0, s21;
	[sflag:s23] =	ssyncset.done $0x0  }
0x18: {  	[sflag:s23] =	ssyncadd.s32 s2;
	_ =	sdelay $0x1  }
0x19: {  	s24 =	simm.s32 $0x1B8B  }
0x1a: {  	_ =	swait.ge [sflag:s24], $0x1  }
0x1b: {  	[sflag:s24] =	ssyncset.done $0x0  }
0x1c: {  	s26 =	simm.s32 $0x1B8E;
	s25 =	sld [smem:$0x3FFE];
	[sflag:s24] =	ssyncadd.s32 $0xFFFFFFFF  }
0x1d: {  	s27 =	simm.s32 $execute0_lowered;
	[smem:$0x3FD2] =	sst s26  }
0x1e: {  	s4 =	sshll.u32 s27, $0x1;
	_ =	strace $0x80000049;
	[dreg:$0x1] =	wrdreg $0xFFFFFFFF  }
0x1f: {  	s28 =	simm.s32 $_size_execute0_lowered;
	s1 =	sadd.s32 s1, s4;
	[dreg:$0x0] =	wrdreg $0x0  }
0x20: {  	s4 =	sshll.u32 s28, $0x1;
	[dreg:$0x2] =	wrdreg s1  }
0x21: {  	[dreg:$0x3] =	wrdreg s4  }
0x22: {  	[dreg:$0x4] =	wrdreg $0xC0  }
0x23: {  	_ =	task [dreg:s6], $0x5FFFF  }
0x24: {  	[dreg:$0x1] =	wrdreg $0xFFFFFFFF  }
0x25: {  	[dreg:$0x0] =	wrdreg $0x60  }
0x26: {  	[dreg:$0x2] =	wrdreg s25  }
0x27: {  	[dreg:$0x3] =	wrdreg $0x9  }
0x28: {  	_ =	task.clear_ibuf [dreg:s6], $0x4FFFF;
	_ =	strace $0x90000049  }
0x29: {  	s29 =	simm.s32 $0x9;
	_ =	strace $0x8000004B  }
0x2a: {  	_ =	swait.ge [sflag:s29], $0x1  }
0x2b: {  	[sflag:s29] =	ssyncadd.s32 $0xFFFFFFFF  }
0x2c: {  	_ =	strace $0x9000004B  }
0x2d: {  	_ =	sfence  }
0x2e: {  	s30 =	sld [smem:$0x0];
	_ =	sdelay $0x2  }
0x2f: {  	s31 =	sshll.u32 s3, $0xD;
	s3 =	sshrl.u32 s3, $0x2  }
0x30: {  	s2 =	sand.u32 $0x4000, s31;
	s1 =	sadd.s32 s3, s30  }
0x31: {  	s0 =	sor.u32 s2, s0;
	s1 =	sshll.u32 s1, $0x11  }
0x32: {  	s0 =	sor.u32 s1, s0  }
0x33: {  	s0 =	sadd.s32 $0x8F2B, s0  }
0x34: {  	[sflag:s0] =	ssyncadd.remote.s32 $0x1  }
0x35: {  	_ =	sfence.sel $0xFFFF  }
0x36: {  	[dreg:$0x0] =	wrdreg $0xFFFFFFFF;
	(pc) =	sbr.abs _section_cstart, $3  }
0x37: {  	[dreg:$0x1] =	wrdreg $0xFFFFFFFF  }
0x38: {  	_ =	task.clear_ibuf [dreg:s6], $0x2FFFF;
	_ =	strace $0x9FFFFFFF  }
0x39: {  	(tm) =	ssettm $0x7FFFFFFF  }
tec
execute0_lowered:
.L_overlay_start_1:
0x0: {  	(tag) =	ssettag $0x1  }
0x1: {  	s0 =	srdreg.scid  }
0x2: {  	s5 =	rddreg [dreg:$0x0];
	s1 =	stileid.u32;
	s4 =	simm.s32 $0x1  }
0x3: {  	s6 =	simm.s32 $0x2;
	s8 =	simm.s32 $0x0;
	s2 =	sshll.u32 s0, $0x4  }
0x4: {  	s9 =	simm.s32 $0x0;
	s13 =	simm.s32 $0x0;
	s2 =	sand.u32 $0x10, s2  }
.Ltmp0:
0x5: {  	s10 =	simm.s32 $0x0;
	s3 =	sor.u32 s1, s2;
	(pc) =	sbr.rel .LBB1_1-.Ltmp0, $4  }
0x6: {  	s0 =	rddreg [dreg:$0x1];
	_ =	strace $0x8000004A;
	s3 =	sshll.u32 s3, $0x4  }
0x7: {  	s12 =	simm.s32 $0x0;
	[sflag:s4] =	ssyncpa.u1 $0x0;
	s7 =	ssub.s32 $0x7A10, s3  }
0x8: {  	s2 =	sadd.s32 $0x3D1E00, s5;
	[sflag:s6] =	ssyncpa.u1 $0x0;
	s6 =	sshrl.u32 s7, $0x9  }
0x9: {  	s5 =	sadd.s32 $0x1400, s5;
	s11 =	smov.u32 s3;
	s7 =	sor.u32 $0x2, s6  }
.LBB1_7:
0xa: {  	s15 =	sshll.u32 s12, $0xF  }
0xb: {  	s15 =	sand.u32 $0x8000, s15  }
0xc: {  	s16 =	sshll.u32 s10, $0x7;
	s15 =	sshrl.u32 s15, $0x1  }
0xd: {  	s16 =	sadd.s32 s5, s16;
	s15 =	sor.u32 $0x8000, s15  }
0xe: {  	[hbm4b:s16+s8] =	stream.linear.scatter [tilespmem:s15], [sflag:$0x2], s14, $0x38;
	[tilespmem:$0x10000] =	vst v63  }
.LBB1_8:
0xf: {  	p0 =	slt.u32 s12, $0x2  }
0x10: {  	p1 =	sgt.s32 @!p0 s13, $0x7A02  }
0x11: {  	s14 =	smov.u32 s13;
	s15 =	sshra.s32 @!p0 s13, $0x1F;
	p1 =	por !p1, p0  }
0x12: {  	s13 =	sand.u32 @!p0 s15, s13;
	s14 =	simm.s32 @p1 $0x7A02  }
0x13: {  	s13 =	ssub.s32 @!p0 s14, s13  }
0x14: {  	s13 =	sadd.s32 @!p0 $0xFFFF85FE, s13  }
0x15: {  	s14 =	sshll.u32 @!p0 s13, $0xC  }
0x16: {  	p1 =	sgt.s32 @!p0 s13, $0xF;
	s13 =	ssub.s32 @!p0 $0x10000, s14  }
0x17: {  	s15 =	sadd.s32 $0x200, s11;
	p1 =	por !p1, p0;
	s13 =	sshrl.u32 @!p0 s13, $0x2  }
0x18: {  	s13 =	simm.s32 @!p1 $0x0;
	p1 =	sgt.s32 s15, $0x7A11  }
0x19: {  	s15 =	smov.u32 @p1 s3;
	p1 =	sne.s32 s12, s7  }
.Ltmp1:
0x1a: {  	_ = 	snop;
	(pc) =	sbr.rel @!p1 .LBB1_9-.Ltmp1, $4  }
0x1b: {  	s14 =	simm.s32 @!p0 $0x2  }
0x1c: {  	s9 =	sadd.s32 $0x8000, s9;
	_ =	swait.ge @!p0 [sflag:s14], s13;
	s16 =	ssub.s32 @!p0 $0x0, s13  }
0x1d: {  	s13 =	smov.u32 s10;
	s12 =	sadd.s32 $0x1, s12;
	[sflag:s14] =	ssyncset.done @!p0 $0x0  }
0x1e: {  	s10 =	smov.u32 s11;
	s11 =	smov.u32 s15;
	[sflag:s14] =	ssyncadd.s32 @!p0 s16  }
.LBB1_1:
0x1f: {  	p0 =	sgt.u32 s12, s6  }
0x20: {  	p1 =	sgt.s32 @!p0 s11, $0x7A02  }
0x21: {  	s14 =	smov.u32 s11;
	s15 =	sshra.s32 @!p0 s11, $0x1F;
	p1 =	por !p1, p0  }
0x22: {  	s15 =	sand.u32 @!p0 s15, s11;
	s14 =	simm.s32 @p1 $0x7A02  }
0x23: {  	s14 =	ssub.s32 @!p0 s14, s15  }
0x24: {  	s14 =	sadd.s32 @!p0 $0xFFFF85FE, s14  }
0x25: {  	s16 =	sshll.u32 @!p0 s11, $0x7;
	s17 =	simm.s32 @!p0 $0x0;
	s15 =	sshll.u32 @!p0 s14, $0xC  }
0x26: {  	p1 =	sgt.s32 @!p0 s14, $0xF;
	s14 =	ssub.s32 @!p0 $0x10000, s15;
	s15 =	sxor.u32 @!p0 $0xFFFFFFFF, s12  }
0x27: {  	p1 =	por !p1, p0;
	s14 =	sshrl.u32 @!p0 s14, $0x2;
	s15 =	sshll.u32 @!p0 s15, $0xE  }
0x28: {  	s16 =	sadd.s32 @!p0 s2, s16;
	s14 =	simm.s32 @!p1 $0x0;
	s15 =	sand.u32 @!p0 $0x4000, s15  }
0x29: {  	[tilespmem:s15], [sflag:$0x1] =	stream.linear.gather @!p0 [hbm4b:s16+s17], s14, $0x38;
	[tilespmem:$0x10000] =	vst v63  }
0x2a: {  	p0 =	seq.s32 s12, $0x0  }
0x2b: {  	p1 =	sge.u32 @!p0 s12, s7  }
0x2c: {  	p0 =	por p0, p1  }
.Ltmp2:
0x2d: {  	_ = 	snop;
	(pc) =	sbr.rel @p0 .LBB1_8-.Ltmp2, $1  }
0x2e: {  	_ =	sdelay $0x3  }
0x2f: {  	p0 =	sgt.s32 s10, $0x7A02;
	s14 =	smov.u32 s10;
	s15 =	sshra.s32 s10, $0x1F  }
0x30: {  	s14 =	simm.s32 @!p0 $0x7A02;
	s15 =	sand.u32 s15, s10  }
0x31: {  	s14 =	ssub.s32 s14, s15  }
0x32: {  	s16 =	sadd.s32 $0x10, s10;
	s14 =	sadd.s32 $0xFFFF85FE, s14  }
0x33: {  	p1 =	slt.s32 s16, $0x7A12;
	s30 =	sshll.u32 s14, $0xC  }
0x34: {  	s16 =	simm.s32 @!p1 $0x7A12;
	s15 =	ssub.s32 $0x10000, s30  }
0x35: {  	p0 =	sgt.s32 s14, $0xF;
	s14 =	sshrl.u32 s15, $0x2;
	s15 =	ssub.s32 s16, s10  }
0x36: {  	s14 =	simm.s32 @p0 $0x0;
	p0 =	slt.s32 s15, $0x1  }
.Ltmp3:
0x37: {  	_ = 	snop;
	(pc) =	sbr.rel @p0 .LBB1_7-.Ltmp3, $4  }
0x38: {  	_ = 	snop  }
0x39: {  	_ =	swait.ge [sflag:s4], s14  }
0x3a: {  	s31 =	ssub.s32 $0x0, s14;
	[sflag:s4] =	ssyncset.done $0x0  }
0x3b: {  	[sflag:s4] =	ssyncadd.s32 s31  }
0x3c: {  	s16 =	sshrl.u32 s9, $0x1  }
0x3d: {  	s17 =	sand.u32 $0x4000, s16  }
0x3e: {  	s18 =	simm.s32 $0x0;
	s16 =	sor.u32 $0x200, s17;
	s17 =	sor.u32 $0x8080, s17  }
.LBB1_4:
0x3f: {  	v0 =	vld [tilespmem:s16+$0xFFFFFE70]  }
0x40: {  	v1 =	vld [tilespmem:s16+$0x70]  }
0x41: {  	v2 =	vld [tilespmem:s16+$0x0]  }
0x42: {  	v3 =	vld [tilespmem:s16+$0xFFFFFE10]  }
0x43: {  	v4 =	vld [tilespmem:s16+$0x10]  }
0x44: {  	v5 =	vld [tilespmem:s16+$0xFFFFFE20]  }
0x45: {  	v7 =	vld [tilespmem:s16+$0x20]  }
0x46: {  	v11 =	vld [tilespmem:s16+$0x30];
	v6 =	vunpack.i.l.s16.s32 v0;
	v8 =	vunpack.i.u.s16.s32 v0;
	v9 =	vunpack.i.u.s16.s32 v1  }
0x47: {  	v10 =	vunpack.i.l.s16.s32 v1;
	v0 =	vunpack.i.u.s16.s32 v2;
	v1 =	vunpack.i.l.s16.s32 v2;
	v2 =	vld [tilespmem:s16+$0xFFFFFE30]  }
0x48: {  	v8 =	vpack.i.b32.b16 v9, v8;
	v9 =	vunpack.i.u.s16.s32 v3;
	v3 =	vunpack.i.l.s16.s32 v3  }
0x49: {  	v12 =	vld [tilespmem:s16+$0xFFFFFE40];
	v6 =	vpack.i.b32.b16 v10, v6;
	[tilespmem:s17+$0x70] =	vst v8;
	v8 =	vunpack.i.u.s16.s32 v4;
	v4 =	vunpack.i.l.s16.s32 v4  }
0x4a: {  	v13 =	vld [tilespmem:s16+$0x40];
	v10 =	vunpack.i.u.s16.s32 v5;
	v5 =	vunpack.i.l.s16.s32 v5;
	[tilespmem:s17+$0xFFFFFFF0] =	vst v6;
	v3 =	vpack.i.b32.b16 v4, v3  }
0x4b: {  	v6 =	vunpack.i.l.s16.s32 v7;
	v4 =	vld [tilespmem:s16+$0xFFFFFE50];
	[tilespmem:s17+$0xFFFFFF90] =	vst v3;
	v3 =	vpack.i.b32.b16 v8, v9;
	v8 =	vunpack.i.u.s16.s32 v7  }
0x4c: {  	v7 =	vunpack.i.l.s16.s32 v11;
	[tilespmem:s17+$0x10] =	vst v3;
	v3 =	vpack.i.b32.b16 v6, v5;
	v9 =	vunpack.i.u.s16.s32 v2;
	v6 =	vld [tilespmem:s16+$0x50]  }
0x4d: {  	v5 =	vunpack.i.l.s16.s32 v2;
	v2 =	vld [tilespmem:s16+$0xFFFFFE60];
	[tilespmem:s17+$0xFFFFFFA0] =	vst v3;
	v3 =	vpack.i.b32.b16 v8, v10;
	v10 =	vunpack.i.u.s16.s32 v11  }
0x4e: {  	s21 =	simm.s32 $0x0;
	v11 =	vpack.i.b32.b16 v7, v5;
	v7 =	vunpack.i.u.s16.s32 v12;
	v8 =	vunpack.i.l.s16.s32 v12;
	[tilespmem:s17+$0x20] =	vst v3;
	v3 =	vld [tilespmem:s16+$0x60]  }
0x4f: {  	s22 =	sadd.s32 $0x80, s16;
	s20 =	smov.u32 s17;
	s19 =	smov.u32 s17;
	v5 =	vld [tilespmem:s16+$0xFFFFFE00];
	[tilespmem:s17+$0xFFFFFFB0] =	vst v11;
	v10 =	vpack.i.b32.b16 v10, v9;
	v9 =	vunpack.i.u.s16.s32 v13;
	v11 =	vunpack.i.l.s16.s32 v13  }
.LBB1_5:
0x50: {  	v12 =	vld [tilespmem:s22+$0xFFFFFE70];
	[tilespmem:s20+$0x30] =	vst v10;
	v8 =	vpack.i.b32.b16 v11, v8;
	v10 =	vunpack.i.u.s16.s32 v4;
	v4 =	vunpack.i.l.s16.s32 v4  }
0x51: {  	s21 =	sadd.s32 $0x2, s21;
	v7 =	vpack.i.b32.b16 v9, v7;
	v11 =	vld [tilespmem:s22+$0x70];
	[tilespmem:s20+$0xFFFFFFC0] =	vst v8;
	v8 =	vunpack.i.u.s16.s32 v6;
	v6 =	vunpack.i.l.s16.s32 v6  }
0x52: {  	p0 =	slt.u32 s21, $0x6;
	v9 =	vld [tilespmem:s22+$0x0];
	[tilespmem:s20+$0x40] =	vst v7;
	v4 =	vpack.i.b32.b16 v6, v4;
	v6 =	vunpack.i.u.s16.s32 v2;
	v2 =	vunpack.i.l.s16.s32 v2  }
0x53: {  	v7 =	vld [tilespmem:s22+$0xFFFFFE10];
	[tilespmem:s20+$0xFFFFFFD0] =	vst v4;
	v4 =	vpack.i.b32.b16 v8, v10;
	v8 =	vunpack.i.u.s16.s32 v3;
	v3 =	vunpack.i.l.s16.s32 v3  }
0x54: {  	v10 =	vld [tilespmem:s22+$0x10];
	v13 =	vunpack.i.u.s16.s32 v5;
	v5 =	vunpack.i.l.s16.s32 v5;
	[tilespmem:s20+$0x50] =	vst v4;
	v2 =	vpack.i.b32.b16 v3, v2  }
0x55: {  	v3 =	vld [tilespmem:s22+$0xFFFFFE20];
	v4 =	vunpack.i.l.s16.s32 v12;
	v1 =	vpack.i.b32.b16 v1, v5;
	v5 =	vpack.i.b32.b16 v0, v13;
	[tilespmem:s20+$0xFFFFFFE0] =	vst v2  }
0x56: {  	v12 =	vunpack.i.u.s16.s32 v12;
	v2 =	vld [tilespmem:s22+$0x20];
	v13 =	vunpack.i.u.s16.s32 v11;
	v11 =	vunpack.i.l.s16.s32 v11;
	[tilespmem:s20+$0xFFFFFF80] =	vst v1  }
0x57: {  	s20 =	sadd.s32 $0x100, s20;
	v0 =	vunpack.i.u.s16.s32 v9;
	v1 =	vunpack.i.l.s16.s32 v9;
	v9 =	vld [tilespmem:s22+$0xFFFFFE30];
	v12 =	vpack.i.b32.b16 v13, v12;
	[tilespmem:s19+$0x0] =	vst v5  }
0x58: {  	v6 =	vpack.i.b32.b16 v8, v6;
	v5 =	vunpack.i.u.s16.s32 v7;
	v7 =	vunpack.i.l.s16.s32 v7;
	v13 =	vld [tilespmem:s22+$0x30];
	[tilespmem:s20+$0x70] =	vst v12  }
0x59: {  	v4 =	vpack.i.b32.b16 v11, v4;
	v8 =	vunpack.i.u.s16.s32 v10;
	v10 =	vunpack.i.l.s16.s32 v10;
	v12 =	vld [tilespmem:s22+$0xFFFFFE40];
	[tilespmem:s19+$0x60] =	vst v6;
	s19 =	smov.u32 s20  }
0x5a: {  	v6 =	vpack.i.b32.b16 v10, v7;
	v7 =	vunpack.i.u.s16.s32 v3;
	v3 =	vunpack.i.l.s16.s32 v3;
	v11 =	vld [tilespmem:s22+$0x40];
	[tilespmem:s20+$0xFFFFFFF0] =	vst v4  }
.Ltmp4:
0x5b: {  	v5 =	vpack.i.b32.b16 v8, v5;
	[tilespmem:s20+$0xFFFFFF90] =	vst v6;
	v8 =	vunpack.i.u.s16.s32 v2;
	v2 =	vunpack.i.l.s16.s32 v2;
	v4 =	vld [tilespmem:s22+$0xFFFFFE50];
	(pc) =	sbr.rel @p0 .LBB1_5-.Ltmp4, $4  }
0x5c: {  	[tilespmem:s20+$0x10] =	vst v5;
	v2 =	vpack.i.b32.b16 v2, v3;
	v10 =	vunpack.i.u.s16.s32 v9;
	v3 =	vunpack.i.l.s16.s32 v9;
	v6 =	vld [tilespmem:s22+$0x50]  }
0x5d: {  	v5 =	vpack.i.b32.b16 v8, v7;
	[tilespmem:s20+$0xFFFFFFA0] =	vst v2;
	v9 =	vunpack.i.u.s16.s32 v13;
	v7 =	vunpack.i.l.s16.s32 v13;
	v2 =	vld [tilespmem:s22+$0xFFFFFE60]  }
0x5e: {  	[tilespmem:s20+$0x20] =	vst v5;
	v13 =	vpack.i.b32.b16 v7, v3;
	v7 =	vunpack.i.u.s16.s32 v12;
	v8 =	vunpack.i.l.s16.s32 v12;
	v3 =	vld [tilespmem:s22+$0x60]  }
0x5f: {  	v10 =	vpack.i.b32.b16 v9, v10;
	v5 =	vld [tilespmem:s22+$0xFFFFFE00];
	[tilespmem:s20+$0xFFFFFFB0] =	vst v13;
	v9 =	vunpack.i.u.s16.s32 v11;
	v11 =	vunpack.i.l.s16.s32 v11;
	s22 =	sadd.s32 $0x80, s22  }
0x60: {  	[tilespmem:s20+$0x30] =	vst v10;
	v8 =	vpack.i.b32.b16 v11, v8  }
0x61: {  	v51 =	vunpack.i.l.s16.s32 v4;
	v7 =	vpack.i.b32.b16 v9, v7;
	[tilespmem:s20+$0xFFFFFFC0] =	vst v8;
	v52 =	vunpack.i.l.s16.s32 v6  }
0x62: {  	v53 =	vunpack.i.u.s16.s32 v4;
	s18 =	sadd.s32 $0x1, s18;
	v54 =	vunpack.i.u.s16.s32 v6;
	[tilespmem:s20+$0x40] =	vst v7;
	v55 =	vpack.i.b32.b16 v52, v51  }
0x63: {  	p0 =	sne.s32 s18, s15;
	v56 =	vunpack.i.l.s16.s32 v2;
	v4 =	vpack.i.b32.b16 v54, v53;
	[tilespmem:s20+$0xFFFFFFD0] =	vst v55;
	v57 =	vunpack.i.l.s16.s32 v3  }
.Ltmp5:
0x64: {  	[tilespmem:s20+$0x50] =	vst v4;
	v58 =	vunpack.i.l.s16.s32 v5;
	v59 =	vpack.i.b32.b16 v57, v56;
	(pc) =	sbr.rel @p0 .LBB1_4-.Ltmp5, $4  }
.Ltmp6:
0x65: {  	v61 =	vunpack.i.u.s16.s32 v2;
	v62 =	vunpack.i.u.s16.s32 v3;
	v1 =	vpack.i.b32.b16 v1, v58;
	[tilespmem:s20+$0xFFFFFFE0] =	vst v59;
	(pc) =	sbr.rel @!p0 .LBB1_7-.Ltmp6, $4  }
0x66: {  	v60 =	vunpack.i.u.s16.s32 v5;
	v63 =	vpack.i.b32.b16 v62, v61;
	[tilespmem:s20+$0xFFFFFF80] =	vst v1  }
0x67: {  	v0 =	vpack.i.b32.b16 v0, v60;
	[tilespmem:s19+$0x60] =	vst v63  }
0x68: {  	s16 =	sadd.s32 $0x400, s16;
	s17 =	sadd.s32 $0x400, s17;
	[tilespmem:s19+$0x0] =	vst v0  }
0x69: {  	_ = 	snop  }
.LBB1_9:
0x6a: {  	_ =	sfence.sel $0x180000  }
0x6b: {  	s2 =	simm.s32 $0x1;
	[bflag:$0x0] =	sbarrier.arrive $0xFFFF  }
0x6c: {  	s31 =	simm.s32 $0x2;
	[sflag:s2] =	ssyncpa.u1 $0x1  }
0x6d: {  	[sflag:s31] =	ssyncpa.u1 $0x1  }
0x6e: {  	p0 =	sne.s32 s1, $0x0;
	_ =	strace $0x9000004A  }
0x6f: {  	s0 =	sadd.s32 @!p0 $0x100000, s0;
	[bflag:$0x2] =	sbarrier.arrive $0xFFFF  }
0x70: {  	[sflag:s0] =	ssyncadd.tile.s32 @!p0 $0x1;
	_ =	shalt  }
.Lfunc_end1:
_tile_overlayer_lowered:
.L_overlay_start_2:
0x71: {  	(tag) =	ssettag $0x2  }
0x72: {  	s0 =	rddreg [dreg:$0x0];
	s2 =	stileid.u32  }
0x73: {  	s1 =	rddreg [dreg:$0x1];
	p0 =	sne.s32 s2, $0x0  }
0x74: {  	s3 =	rddreg [dreg:$0x2];
	[bflag:$0x3] =	sbarrier.arrive $0xFFFF;
	s2 =	simm.s32 @!p0 $0x1C01  }
0x75: {  	[timem:s3], [sflag:s2] =	dma.local @!p0 [hbm:s0], s1  }
0x76: {  	s0 =	simm.s32 @!p0 $0x1  }
0x77: {  	_ =	swait.ge @!p0 [sflag:s0], s1  }
0x78: {  	s1 =	ssub.s32 @!p0 $0x0, s1;
	[sflag:s0] =	ssyncset.done @!p0 $0x0  }
0x79: {  	[sflag:s0] =	ssyncadd.s32 @!p0 s1  }
0x7a: {  	[bflag:$0x3] =	sbarrier.arrive $0xFFFF  }
0x7b: {  	_ =	shalt  }

</sc_bundles>
